<compile_context>
chip_gen: v7x
topology: tpu7x:2x2x1
jax: 0.10.2.dev20260603
libtpu: 0.0.44.dev20260713+nightly
codegen_flags: <defaults>
</compile_context>

<pallas_src>
import functools

import jax
import jax.numpy as jnp
import numpy as np
from jax import lax
from jax.experimental import pallas as pl
from jax.experimental.pallas import tpu as pltpu
from jax.experimental.pallas import tpu_sc as plsc

B = 16384
L = 50
USER_DIM = 128
CAT_DIM = 64
HIDDEN = 96
NUM_CATEGORIES = 1000

NC = 2
NS = 16
NW = NC * NS
BPW = B // NW

CH = 128
CAT_NCH = B * L // CH // NW
NBUF = 10
LOOKAHEAD = 5

_DEST_IDS = ((np.arange(B * L, dtype=np.int64) // L) % (B // NC)).astype(
    np.int32).reshape(B * L // CH, CH)

_vmesh = plsc.VectorSubcoreMesh(core_axis_name="c", subcore_axis_name="s")


def _user_gather(user_table, user_ids_2d):

  @functools.partial(
      pl.kernel,
      out_type=jax.ShapeDtypeStruct((B, USER_DIM), jnp.float32),
      mesh=_vmesh,
      scratch_types=[
          pltpu.VMEM((4, CH), jnp.int32),
          pltpu.VMEM((BPW, USER_DIM), jnp.float32),
      ],
  )
  def k(table_hbm, ids_hbm, out_hbm, idx_v, rows_v):
    wid = lax.axis_index("c") * NS + lax.axis_index("s")
    base = wid * BPW
    pltpu.sync_copy(ids_hbm.at[pl.ds(wid * 4, 4)], idx_v)
    for j in range(4):
      pltpu.sync_copy(table_hbm.at[idx_v.at[j]],
                      rows_v.at[pl.ds(j * CH, CH)])
    pltpu.sync_copy(rows_v, out_hbm.at[pl.ds(base, BPW)])

  return k(user_table, user_ids_2d)


def _cat_bag(category_table, cat_ids_2d, dest_ids_2d):

  @functools.partial(
      pl.kernel,
      out_type=jax.ShapeDtypeStruct((B, 2 * CAT_DIM), jnp.float32),
      mesh=_vmesh,
      compiler_params=pltpu.CompilerParams(use_tc_tiling_on_sc=False,
                                           needs_layout_passes=False),
      scratch_types=[
          pltpu.VMEM((CH, USER_DIM), jnp.float32),
          pltpu.VMEM((CAT_NCH, CH), jnp.int32),
          pltpu.VMEM((CAT_NCH, CH), jnp.int32),
          [pltpu.VMEM((CH, CAT_DIM), jnp.bfloat16) for _ in range(NBUF)],
          pltpu.VMEM_SHARED((B // NC, CAT_DIM), jnp.bfloat16),
          [pltpu.SemaphoreType.DMA for _ in range(NBUF)],
          [pltpu.SemaphoreType.DMA for _ in range(NBUF)],
      ],
  )
  def k(ctable_hbm, cids_hbm, dest_hbm, cout_hbm, urows_v, idx_v, dest_v,
        bufs, acc_sh, semg, sems):
    cid = lax.axis_index("c")
    sid = lax.axis_index("s")
    wid = cid * NS + sid
    base = wid * BPW

    pltpu.sync_copy(cids_hbm.at[pl.ds(wid * CAT_NCH, CAT_NCH)], idx_v)
    pltpu.sync_copy(dest_hbm.at[pl.ds(wid * CAT_NCH, CAT_NCH)], dest_v)

    zero32 = jnp.zeros((32,), jnp.bfloat16)

    @pl.loop(0, CH)
    def _(r):
      for g in range(CAT_DIM // 32):
        bufs[0][r, pl.ds(g * 32, 32)] = zero32

    for kk in range(BPW // CH):
      pltpu.sync_copy(bufs[0], acc_sh.at[pl.ds(sid * BPW + kk * CH, CH)])

    for c in range(LOOKAHEAD):
      pltpu.async_copy(ctable_hbm.at[idx_v.at[c]], bufs[c], semg[c])

    @pl.loop(0, CAT_NCH, step=NBUF)
    def _(j):
      for b in range(NBUF):
        cidx = j + b
        pltpu.make_async_copy(ctable_hbm.at[idx_v.at[0]], bufs[b],
                              semg[b]).wait()

        @pl.when(cidx >= LOOKAHEAD)
        def _():
          pltpu.make_async_copy(bufs[(b + LOOKAHEAD) % NBUF],
                                acc_sh.at[dest_v.at[0]],
                                sems[(b + LOOKAHEAD) % NBUF]).wait()

        @pl.when(cidx + LOOKAHEAD < CAT_NCH)
        def _():
          pltpu.async_copy(ctable_hbm.at[idx_v.at[cidx + LOOKAHEAD]],
                           bufs[(b + LOOKAHEAD) % NBUF],
                           semg[(b + LOOKAHEAD) % NBUF])

        pltpu.async_copy(bufs[b], acc_sh.at[dest_v.at[cidx]], sems[b],
                         add=True)

    for c in range(CAT_NCH - LOOKAHEAD, CAT_NCH):
      pltpu.make_async_copy(bufs[c % NBUF], acc_sh.at[dest_v.at[0]],
                            sems[c % NBUF]).wait()

    zero16f = jnp.zeros((16,), jnp.float32)

    @pl.loop(0, CH)
    def _(r):
      for g in range(CAT_DIM // 16, USER_DIM // 16):
        urows_v[r, pl.ds(g * 16, 16)] = zero16f

    iota2 = lax.iota(jnp.int32, 16) * 2
    for kk in range(BPW // CH):
      pltpu.sync_copy(acc_sh.at[pl.ds(sid * BPW + kk * CH, CH)], bufs[0])

      @pl.loop(0, CH)
      def _(r):
        rvec = jnp.full((16,), r, jnp.int32)
        for g in range(CAT_DIM // 32):
          v = plsc.bitcast(bufs[0][r, pl.ds(g * 32, 32)], jnp.int32)
          lo = plsc.bitcast(v << 16, jnp.float32)
          hi = plsc.bitcast(v & jnp.int32(-65536), jnp.float32)
          cols = iota2 + (g * 32)
          plsc.store_scatter(urows_v, [rvec, cols], lo)
          plsc.store_scatter(urows_v, [rvec, cols + 1], hi)

      pltpu.sync_copy(urows_v, cout_hbm.at[pl.ds(base + kk * CH, CH)])

  return k(category_table, cat_ids_2d, dest_ids_2d)


def _mlp(u, csum, W1u_t, W1c_t, b1, W2_t, b2):
  BB = 2048

  def body(u_ref, c_ref, w1u_ref, w1c_ref, b1_ref, w2_ref, b2_ref, o_ref):
    ub = u_ref[...].astype(jnp.bfloat16)
    cb = c_ref[...].astype(jnp.bfloat16)
    dnr = (((1,), (1,)), ((), ()))
    dns = (((1,), (0,)), ((), ()))
    x_t = lax.dot_general(w1u_ref[...], ub, dnr,
                          preferred_element_type=jnp.float32)
    x_t = x_t + lax.dot_general(w1c_ref[...], cb, dnr,
                                preferred_element_type=jnp.float32)
    x_t = jnp.maximum(x_t + b1_ref[...], 0.0).astype(jnp.bfloat16)
    z_t = lax.dot_general(w2_ref[...], x_t, dns,
                          preferred_element_type=jnp.float32)
    o_ref[...] = 0.5 * jnp.tanh((z_t + b2_ref[...]) * 0.5) + 0.5

  return pl.pallas_call(
      body,
      grid=(B // BB,),
      in_specs=[
          pl.BlockSpec((BB, USER_DIM), lambda i: (i, 0)),
          pl.BlockSpec((BB, 2 * CAT_DIM), lambda i: (i, 0)),
          pl.BlockSpec((HIDDEN, USER_DIM), lambda i: (0, 0)),
          pl.BlockSpec((HIDDEN, 2 * CAT_DIM), lambda i: (0, 0)),
          pl.BlockSpec((HIDDEN, 1), lambda i: (0, 0)),
          pl.BlockSpec((NUM_CATEGORIES, HIDDEN), lambda i: (0, 0)),
          pl.BlockSpec((NUM_CATEGORIES, 1), lambda i: (0, 0)),
      ],
      out_specs=pl.BlockSpec((NUM_CATEGORIES, BB), lambda i: (0, i)),
      out_shape=jax.ShapeDtypeStruct((NUM_CATEGORIES, B), jnp.float32),
  )(u, csum, W1u_t, W1c_t, b1.reshape(HIDDEN, 1), W2_t,
    b2.reshape(NUM_CATEGORIES, 1))


def kernel(user_ids, category_ids, user_table, category_table, W1, b1, W2, b2):
  u = _user_gather(user_table, user_ids.reshape(B // CH, CH))
  csum = _cat_bag(category_table.astype(jnp.bfloat16),
                  category_ids.reshape(B * L // CH, CH),
                  jnp.asarray(_DEST_IDS))
  W1u_t = W1[:USER_DIM].T.astype(jnp.bfloat16)
  W1c_t = (W1[USER_DIM:] * (1.0 / L)).T.astype(jnp.bfloat16)
  W1c_t = jnp.concatenate(
      [W1c_t, jnp.zeros((HIDDEN, CAT_DIM), jnp.bfloat16)], axis=1)
  out_t = _mlp(u, csum, W1u_t, W1c_t, b1, W2.T.astype(jnp.bfloat16), b2)
  return out_t.T

# --- scband reference (transcript-rebuilt; emitter-appended) ---
"""Pipeline reference for scband-book-recommendation-model-7782480740373 (READ-ONLY COPY).

The authoritative reference and input builder live on the scoring server;
editing this copy changes nothing except your own understanding.
"""

import jax, jax.numpy as jnp
import numpy as np

B = 16384
L = 50
NUM_USERS = 100000
NUM_BOOKS = 100000
NUM_CATEGORIES = 1000
USER_DIM = 128
CAT_DIM = 64
HIDDEN = 96


def setup_inputs(seed: int = 0) -> dict:
    key = jax.random.key(seed)
    ks = jax.random.split(key, 8)
    user_ids = jax.random.randint(ks[0], (B,), 0, NUM_USERS, dtype=jnp.int32)
    category_ids = jax.random.randint(ks[1], (B, L), 0, NUM_CATEGORIES, dtype=jnp.int32)
    user_table = jax.random.normal(ks[2], (NUM_USERS + 1, USER_DIM), dtype=jnp.float32) * 0.02
    category_table = jax.random.normal(ks[3], (NUM_CATEGORIES + 1, CAT_DIM), dtype=jnp.float32) * 0.02
    W1 = jax.random.normal(ks[4], (USER_DIM + CAT_DIM, HIDDEN), dtype=jnp.float32) * 0.05
    b1 = jnp.zeros((HIDDEN,), dtype=jnp.float32)
    W2 = jax.random.normal(ks[5], (HIDDEN, NUM_CATEGORIES), dtype=jnp.float32) * 0.05
    b2 = jnp.zeros((NUM_CATEGORIES,), dtype=jnp.float32)
    return {
        "user_ids": user_ids,
        "category_ids": category_ids,
        "user_table": user_table,
        "category_table": category_table,
        "W1": W1,
        "b1": b1,
        "W2": W2,
        "b2": b2,
    }


def reference(user_ids, category_ids, user_table, category_table, W1, b1, W2, b2):
    # Embedding gathers (SparseCore-mappable)
    user_embedded = jnp.take(user_table, user_ids, axis=0)            # [B, 128]
    category_embedded = jnp.take(category_table, category_ids, axis=0)  # [B, L, 64]
    category_processed = jnp.mean(category_embedded, axis=1)          # [B, 64]
    combined = jnp.concatenate([user_embedded, category_processed], axis=-1)  # [B, 192]
    x = jax.nn.relu(combined @ W1 + b1)                               # [B, 96]
    out = jax.nn.sigmoid(x @ W2 + b2)                                 # [B, 1000]
    return out

if __name__ == "__main__":
    import jax
    _d = setup_inputs()
    print(jax.jit(kernel)(*tuple(_d.values())))

</pallas_src>

<mosaic_0001>
#map = affine_map<(d0, d1) -> (0, 0)>
module attributes {stable_mosaic.version = 14 : i64} {
  func.func @k(%arg0: i32, %arg1: i32, %arg2: memref<100001x128xf32, #tpu.memory_space<hbm>>, %arg3: memref<128x128xi32, #tpu.memory_space<hbm>>, %arg4: memref<16384x128xf32, #tpu.memory_space<hbm>>, %arg5: memref<4x128xi32, #tpu.memory_space<vmem>>, %arg6: memref<512x128xf32, #tpu.memory_space<vmem>>) attributes {dimension_semantics = [#tpu.dimension_semantics<core_parallel>, #tpu.dimension_semantics<subcore_parallel>], iteration_bounds = array<i64: 2, 16>, scalar_prefetch = 0 : i64, scratch_operands = 2 : i64, tpu.core_type = #tpu.core_type<sc_vector_subcore>, window_params = [{transform_indices = #map}, {transform_indices = #map}, {transform_indices = #map}]} {
    %mul3A = arith.constant 16 : i32
    %mul3A_0 = arith.muli %arg0, %mul3A : i32
    %add3A = arith.addi %mul3A_0, %arg1 : i32
    %mul3A_1 = arith.constant 512 : i32
    %mul3A_2 = arith.muli %add3A, %mul3A_1 : i32
    %mul3A_3 = arith.constant 4 : i32
    %mul3A_4 = arith.muli %add3A, %mul3A_3 : i32
    "tpu.region"() ({
      %run_scoped3A_8 = tpu.sem_alloc : memref<!tpu.dma_semaphore, #tpu.memory_space<semaphore_mem>>
      %dma_start3A = arith.constant 0 : i32
      %dma_start3A_9 = tpu.memref_slice %arg3[%mul3A_4, %dma_start3A] : memref<128x128xi32, #tpu.memory_space<hbm>> -> memref<4x128xi32, #tpu.memory_space<hbm>>
      %dma_start3A_10 = arith.constant 0 : i32
      %dma_start3A_11 = tpu.memref_slice %arg3[%mul3A_4, %dma_start3A_10] : memref<128x128xi32, #tpu.memory_space<hbm>> -> memref<4x128xi32, #tpu.memory_space<hbm>>
      tpu.enqueue_dma source(%dma_start3A_11 : memref<4x128xi32, #tpu.memory_space<hbm>>) target(%arg5 : memref<4x128xi32, #tpu.memory_space<vmem>>) target_semaphore(%run_scoped3A_8 : memref<!tpu.dma_semaphore, #tpu.memory_space<semaphore_mem>>)
      %dma_wait3A = arith.constant 0 : i32
      %dma_wait3A_12 = tpu.memref_slice %arg3[%mul3A_4, %dma_wait3A] : memref<128x128xi32, #tpu.memory_space<hbm>> -> memref<4x128xi32, #tpu.memory_space<hbm>>
      %dma_wait3A_13 = arith.constant 0 : i32
      %dma_wait3A_14 = tpu.memref_slice %arg3[%mul3A_4, %dma_wait3A_13] : memref<128x128xi32, #tpu.memory_space<hbm>> -> memref<4x128xi32, #tpu.memory_space<hbm>>
      tpu.wait_dma2 semaphore(%run_scoped3A_8 : memref<!tpu.dma_semaphore, #tpu.memory_space<semaphore_mem>>) src(%dma_wait3A_14 : memref<4x128xi32, #tpu.memory_space<hbm>>) dst(%arg5 : memref<4x128xi32, #tpu.memory_space<vmem>>)
      tpu.yield
    }) : () -> ()
    %run_scoped3A = arith.constant 0 : i32
    "tpu.region"() ({
      %run_scoped3A_8 = tpu.sem_alloc : memref<!tpu.dma_semaphore, #tpu.memory_space<semaphore_mem>>
      %dma_start3A = arith.constant 0 : i32
      %dma_start3A_9 = arith.constant 0 : i32
      %dma_start3A_10 = tpu.memref_slice %arg6[%dma_start3A, %dma_start3A_9] : memref<512x128xf32, #tpu.memory_space<vmem>> -> memref<128x128xf32, #tpu.memory_space<vmem>>
      %dma_start3A_11 = arith.constant 0 : i32
      %dma_start3A_12 = tpu.memref_slice %arg5[%run_scoped3A, %dma_start3A_11] : memref<4x128xi32, #tpu.memory_space<vmem>> -> memref<1x128xi32, #tpu.memory_space<vmem>>
      %dma_start3A_13 = tpu.memref_squeeze %dma_start3A_12 : memref<1x128xi32, #tpu.memory_space<vmem>> -> memref<128xi32, #tpu.memory_space<vmem>>
      %dma_start3A_14 = arith.constant 0 : i32
      %dma_start3A_15 = arith.constant 0 : i32
      %dma_start3A_16 = tpu.memref_slice %arg2[%dma_start3A_14, %dma_start3A_15] : memref<100001x128xf32, #tpu.memory_space<hbm>> -> memref<100001x128xf32, #tpu.memory_space<hbm>>
      tpu.enqueue_indirect_dma source(%dma_start3A_16 : memref<100001x128xf32, #tpu.memory_space<hbm>>) target(%dma_start3A_10 : memref<128x128xf32, #tpu.memory_space<vmem>>) offsets(%dma_start3A_13 : memref<128xi32, #tpu.memory_space<vmem>>) semaphore(%run_scoped3A_8 : memref<!tpu.dma_semaphore, #tpu.memory_space<semaphore_mem>>)
      %dma_wait3A = arith.constant 0 : i32
      %dma_wait3A_17 = arith.constant 0 : i32
      %dma_wait3A_18 = tpu.memref_slice %arg6[%dma_wait3A, %dma_wait3A_17] : memref<512x128xf32, #tpu.memory_space<vmem>> -> memref<128x128xf32, #tpu.memory_space<vmem>>
      %dma_wait3A_19 = arith.constant 0 : i32
      %dma_wait3A_20 = tpu.memref_slice %arg5[%run_scoped3A, %dma_wait3A_19] : memref<4x128xi32, #tpu.memory_space<vmem>> -> memref<1x128xi32, #tpu.memory_space<vmem>>
      %dma_wait3A_21 = tpu.memref_squeeze %dma_wait3A_20 : memref<1x128xi32, #tpu.memory_space<vmem>> -> memref<128xi32, #tpu.memory_space<vmem>>
      %dma_wait3A_22 = arith.constant 0 : i32
      %dma_wait3A_23 = arith.constant 0 : i32
      %dma_wait3A_24 = tpu.memref_slice %arg2[%dma_wait3A_22, %dma_wait3A_23] : memref<100001x128xf32, #tpu.memory_space<hbm>> -> memref<100001x128xf32, #tpu.memory_space<hbm>>
      tpu.wait_indirect_dma semaphore(%run_scoped3A_8 : memref<!tpu.dma_semaphore, #tpu.memory_space<semaphore_mem>>) src(%dma_wait3A_24 : memref<100001x128xf32, #tpu.memory_space<hbm>>) dst(%dma_wait3A_18 : memref<128x128xf32, #tpu.memory_space<vmem>>)
      tpu.yield
    }) : () -> ()
    %run_scoped3A_5 = arith.constant 1 : i32
    "tpu.region"() ({
      %run_scoped3A_8 = tpu.sem_alloc : memref<!tpu.dma_semaphore, #tpu.memory_space<semaphore_mem>>
      %dma_start3A = arith.constant 128 : i32
      %dma_start3A_9 = arith.constant 0 : i32
      %dma_start3A_10 = tpu.memref_slice %arg6[%dma_start3A, %dma_start3A_9] : memref<512x128xf32, #tpu.memory_space<vmem>> -> memref<128x128xf32, #tpu.memory_space<vmem>>
      %dma_start3A_11 = arith.constant 0 : i32
      %dma_start3A_12 = tpu.memref_slice %arg5[%run_scoped3A_5, %dma_start3A_11] : memref<4x128xi32, #tpu.memory_space<vmem>> -> memref<1x128xi32, #tpu.memory_space<vmem>>
      %dma_start3A_13 = tpu.memref_squeeze %dma_start3A_12 : memref<1x128xi32, #tpu.memory_space<vmem>> -> memref<128xi32, #tpu.memory_space<vmem>>
      %dma_start3A_14 = arith.constant 0 : i32
      %dma_start3A_15 = arith.constant 0 : i32
      %dma_start3A_16 = tpu.memref_slice %arg2[%dma_start3A_14, %dma_start3A_15] : memref<100001x128xf32, #tpu.memory_space<hbm>> -> memref<100001x128xf32, #tpu.memory_space<hbm>>
      tpu.enqueue_indirect_dma source(%dma_start3A_16 : memref<100001x128xf32, #tpu.memory_space<hbm>>) target(%dma_start3A_10 : memref<128x128xf32, #tpu.memory_space<vmem>>) offsets(%dma_start3A_13 : memref<128xi32, #tpu.memory_space<vmem>>) semaphore(%run_scoped3A_8 : memref<!tpu.dma_semaphore, #tpu.memory_space<semaphore_mem>>)
      %dma_wait3A = arith.constant 128 : i32
      %dma_wait3A_17 = arith.constant 0 : i32
      %dma_wait3A_18 = tpu.memref_slice %arg6[%dma_wait3A, %dma_wait3A_17] : memref<512x128xf32, #tpu.memory_space<vmem>> -> memref<128x128xf32, #tpu.memory_space<vmem>>
      %dma_wait3A_19 = arith.constant 0 : i32
      %dma_wait3A_20 = tpu.memref_slice %arg5[%run_scoped3A_5, %dma_wait3A_19] : memref<4x128xi32, #tpu.memory_space<vmem>> -> memref<1x128xi32, #tpu.memory_space<vmem>>
      %dma_wait3A_21 = tpu.memref_squeeze %dma_wait3A_20 : memref<1x128xi32, #tpu.memory_space<vmem>> -> memref<128xi32, #tpu.memory_space<vmem>>
      %dma_wait3A_22 = arith.constant 0 : i32
      %dma_wait3A_23 = arith.constant 0 : i32
      %dma_wait3A_24 = tpu.memref_slice %arg2[%dma_wait3A_22, %dma_wait3A_23] : memref<100001x128xf32, #tpu.memory_space<hbm>> -> memref<100001x128xf32, #tpu.memory_space<hbm>>
      tpu.wait_indirect_dma semaphore(%run_scoped3A_8 : memref<!tpu.dma_semaphore, #tpu.memory_space<semaphore_mem>>) src(%dma_wait3A_24 : memref<100001x128xf32, #tpu.memory_space<hbm>>) dst(%dma_wait3A_18 : memref<128x128xf32, #tpu.memory_space<vmem>>)
      tpu.yield
    }) : () -> ()
    %run_scoped3A_6 = arith.constant 2 : i32
    "tpu.region"() ({
      %run_scoped3A_8 = tpu.sem_alloc : memref<!tpu.dma_semaphore, #tpu.memory_space<semaphore_mem>>
      %dma_start3A = arith.constant 256 : i32
      %dma_start3A_9 = arith.constant 0 : i32
      %dma_start3A_10 = tpu.memref_slice %arg6[%dma_start3A, %dma_start3A_9] : memref<512x128xf32, #tpu.memory_space<vmem>> -> memref<128x128xf32, #tpu.memory_space<vmem>>
      %dma_start3A_11 = arith.constant 0 : i32
      %dma_start3A_12 = tpu.memref_slice %arg5[%run_scoped3A_6, %dma_start3A_11] : memref<4x128xi32, #tpu.memory_space<vmem>> -> memref<1x128xi32, #tpu.memory_space<vmem>>
      %dma_start3A_13 = tpu.memref_squeeze %dma_start3A_12 : memref<1x128xi32, #tpu.memory_space<vmem>> -> memref<128xi32, #tpu.memory_space<vmem>>
      %dma_start3A_14 = arith.constant 0 : i32
      %dma_start3A_15 = arith.constant 0 : i32
      %dma_start3A_16 = tpu.memref_slice %arg2[%dma_start3A_14, %dma_start3A_15] : memref<100001x128xf32, #tpu.memory_space<hbm>> -> memref<100001x128xf32, #tpu.memory_space<hbm>>
      tpu.enqueue_indirect_dma source(%dma_start3A_16 : memref<100001x128xf32, #tpu.memory_space<hbm>>) target(%dma_start3A_10 : memref<128x128xf32, #tpu.memory_space<vmem>>) offsets(%dma_start3A_13 : memref<128xi32, #tpu.memory_space<vmem>>) semaphore(%run_scoped3A_8 : memref<!tpu.dma_semaphore, #tpu.memory_space<semaphore_mem>>)
      %dma_wait3A = arith.constant 256 : i32
      %dma_wait3A_17 = arith.constant 0 : i32
      %dma_wait3A_18 = tpu.memref_slice %arg6[%dma_wait3A, %dma_wait3A_17] : memref<512x128xf32, #tpu.memory_space<vmem>> -> memref<128x128xf32, #tpu.memory_space<vmem>>
      %dma_wait3A_19 = arith.constant 0 : i32
      %dma_wait3A_20 = tpu.memref_slice %arg5[%run_scoped3A_6, %dma_wait3A_19] : memref<4x128xi32, #tpu.memory_space<vmem>> -> memref<1x128xi32, #tpu.memory_space<vmem>>
      %dma_wait3A_21 = tpu.memref_squeeze %dma_wait3A_20 : memref<1x128xi32, #tpu.memory_space<vmem>> -> memref<128xi32, #tpu.memory_space<vmem>>
      %dma_wait3A_22 = arith.constant 0 : i32
      %dma_wait3A_23 = arith.constant 0 : i32
      %dma_wait3A_24 = tpu.memref_slice %arg2[%dma_wait3A_22, %dma_wait3A_23] : memref<100001x128xf32, #tpu.memory_space<hbm>> -> memref<100001x128xf32, #tpu.memory_space<hbm>>
      tpu.wait_indirect_dma semaphore(%run_scoped3A_8 : memref<!tpu.dma_semaphore, #tpu.memory_space<semaphore_mem>>) src(%dma_wait3A_24 : memref<100001x128xf32, #tpu.memory_space<hbm>>) dst(%dma_wait3A_18 : memref<128x128xf32, #tpu.memory_space<vmem>>)
      tpu.yield
    }) : () -> ()
    %run_scoped3A_7 = arith.constant 3 : i32
    "tpu.region"() ({
      %run_scoped3A_8 = tpu.sem_alloc : memref<!tpu.dma_semaphore, #tpu.memory_space<semaphore_mem>>
      %dma_start3A = arith.constant 384 : i32
      %dma_start3A_9 = arith.constant 0 : i32
      %dma_start3A_10 = tpu.memref_slice %arg6[%dma_start3A, %dma_start3A_9] : memref<512x128xf32, #tpu.memory_space<vmem>> -> memref<128x128xf32, #tpu.memory_space<vmem>>
      %dma_start3A_11 = arith.constant 0 : i32
      %dma_start3A_12 = tpu.memref_slice %arg5[%run_scoped3A_7, %dma_start3A_11] : memref<4x128xi32, #tpu.memory_space<vmem>> -> memref<1x128xi32, #tpu.memory_space<vmem>>
      %dma_start3A_13 = tpu.memref_squeeze %dma_start3A_12 : memref<1x128xi32, #tpu.memory_space<vmem>> -> memref<128xi32, #tpu.memory_space<vmem>>
      %dma_start3A_14 = arith.constant 0 : i32
      %dma_start3A_15 = arith.constant 0 : i32
      %dma_start3A_16 = tpu.memref_slice %arg2[%dma_start3A_14, %dma_start3A_15] : memref<100001x128xf32, #tpu.memory_space<hbm>> -> memref<100001x128xf32, #tpu.memory_space<hbm>>
      tpu.enqueue_indirect_dma source(%dma_start3A_16 : memref<100001x128xf32, #tpu.memory_space<hbm>>) target(%dma_start3A_10 : memref<128x128xf32, #tpu.memory_space<vmem>>) offsets(%dma_start3A_13 : memref<128xi32, #tpu.memory_space<vmem>>) semaphore(%run_scoped3A_8 : memref<!tpu.dma_semaphore, #tpu.memory_space<semaphore_mem>>)
      %dma_wait3A = arith.constant 384 : i32
      %dma_wait3A_17 = arith.constant 0 : i32
      %dma_wait3A_18 = tpu.memref_slice %arg6[%dma_wait3A, %dma_wait3A_17] : memref<512x128xf32, #tpu.memory_space<vmem>> -> memref<128x128xf32, #tpu.memory_space<vmem>>
      %dma_wait3A_19 = arith.constant 0 : i32
      %dma_wait3A_20 = tpu.memref_slice %arg5[%run_scoped3A_7, %dma_wait3A_19] : memref<4x128xi32, #tpu.memory_space<vmem>> -> memref<1x128xi32, #tpu.memory_space<vmem>>
      %dma_wait3A_21 = tpu.memref_squeeze %dma_wait3A_20 : memref<1x128xi32, #tpu.memory_space<vmem>> -> memref<128xi32, #tpu.memory_space<vmem>>
      %dma_wait3A_22 = arith.constant 0 : i32
      %dma_wait3A_23 = arith.constant 0 : i32
      %dma_wait3A_24 = tpu.memref_slice %arg2[%dma_wait3A_22, %dma_wait3A_23] : memref<100001x128xf32, #tpu.memory_space<hbm>> -> memref<100001x128xf32, #tpu.memory_space<hbm>>
      tpu.wait_indirect_dma semaphore(%run_scoped3A_8 : memref<!tpu.dma_semaphore, #tpu.memory_space<semaphore_mem>>) src(%dma_wait3A_24 : memref<100001x128xf32, #tpu.memory_space<hbm>>) dst(%dma_wait3A_18 : memref<128x128xf32, #tpu.memory_space<vmem>>)
      tpu.yield
    }) : () -> ()
    "tpu.region"() ({
      %run_scoped3A_8 = tpu.sem_alloc : memref<!tpu.dma_semaphore, #tpu.memory_space<semaphore_mem>>
      %dma_start3A = arith.constant 0 : i32
      %dma_start3A_9 = tpu.memref_slice %arg4[%mul3A_2, %dma_start3A] : memref<16384x128xf32, #tpu.memory_space<hbm>> -> memref<512x128xf32, #tpu.memory_space<hbm>>
      %dma_start3A_10 = arith.constant 0 : i32
      %dma_start3A_11 = tpu.memref_slice %arg4[%mul3A_2, %dma_start3A_10] : memref<16384x128xf32, #tpu.memory_space<hbm>> -> memref<512x128xf32, #tpu.memory_space<hbm>>
      tpu.enqueue_dma source(%arg6 : memref<512x128xf32, #tpu.memory_space<vmem>>) target(%dma_start3A_11 : memref<512x128xf32, #tpu.memory_space<hbm>>) target_semaphore(%run_scoped3A_8 : memref<!tpu.dma_semaphore, #tpu.memory_space<semaphore_mem>>)
      %dma_wait3A = arith.constant 0 : i32
      %dma_wait3A_12 = tpu.memref_slice %arg4[%mul3A_2, %dma_wait3A] : memref<16384x128xf32, #tpu.memory_space<hbm>> -> memref<512x128xf32, #tpu.memory_space<hbm>>
      %dma_wait3A_13 = arith.constant 0 : i32
      %dma_wait3A_14 = tpu.memref_slice %arg4[%mul3A_2, %dma_wait3A_13] : memref<16384x128xf32, #tpu.memory_space<hbm>> -> memref<512x128xf32, #tpu.memory_space<hbm>>
      tpu.wait_dma2 semaphore(%run_scoped3A_8 : memref<!tpu.dma_semaphore, #tpu.memory_space<semaphore_mem>>) src(%arg6 : memref<512x128xf32, #tpu.memory_space<vmem>>) dst(%dma_wait3A_14 : memref<512x128xf32, #tpu.memory_space<hbm>>)
      tpu.yield
    }) : () -> ()
    return
  }
}

#map = affine_map<(d0, d1) -> (0, 0)>
module attributes {stable_mosaic.version = 14 : i64} {
  func.func @k(%arg0: i32, %arg1: i32, %arg2: memref<1001x64xbf16, #tpu.memory_space<hbm>>, %arg3: memref<6400x128xi32, #tpu.memory_space<hbm>>, %arg4: memref<6400x128xi32, #tpu.memory_space<hbm>>, %arg5: memref<16384x128xf32, #tpu.memory_space<hbm>>, %arg6: memref<128x128xf32, #tpu.memory_space<vmem>>, %arg7: memref<200x128xi32, #tpu.memory_space<vmem>>, %arg8: memref<200x128xi32, #tpu.memory_space<vmem>>, %arg9: memref<128x64xbf16, #tpu.memory_space<vmem>>, %arg10: memref<128x64xbf16, #tpu.memory_space<vmem>>, %arg11: memref<128x64xbf16, #tpu.memory_space<vmem>>, %arg12: memref<128x64xbf16, #tpu.memory_space<vmem>>, %arg13: memref<128x64xbf16, #tpu.memory_space<vmem>>, %arg14: memref<128x64xbf16, #tpu.memory_space<vmem>>, %arg15: memref<128x64xbf16, #tpu.memory_space<vmem>>, %arg16: memref<128x64xbf16, #tpu.memory_space<vmem>>, %arg17: memref<128x64xbf16, #tpu.memory_space<vmem>>, %arg18: memref<128x64xbf16, #tpu.memory_space<vmem>>, %arg19: memref<8192x64xbf16, #tpu.memory_space<vmem_shared>>, %arg20: memref<!tpu.dma_semaphore, #tpu.memory_space<semaphore_mem>>, %arg21: memref<!tpu.dma_semaphore, #tpu.memory_space<semaphore_mem>>, %arg22: memref<!tpu.dma_semaphore, #tpu.memory_space<semaphore_mem>>, %arg23: memref<!tpu.dma_semaphore, #tpu.memory_space<semaphore_mem>>, %arg24: memref<!tpu.dma_semaphore, #tpu.memory_space<semaphore_mem>>, %arg25: memref<!tpu.dma_semaphore, #tpu.memory_space<semaphore_mem>>, %arg26: memref<!tpu.dma_semaphore, #tpu.memory_space<semaphore_mem>>, %arg27: memref<!tpu.dma_semaphore, #tpu.memory_space<semaphore_mem>>, %arg28: memref<!tpu.dma_semaphore, #tpu.memory_space<semaphore_mem>>, %arg29: memref<!tpu.dma_semaphore, #tpu.memory_space<semaphore_mem>>, %arg30: memref<!tpu.dma_semaphore, #tpu.memory_space<semaphore_mem>>, %arg31: memref<!tpu.dma_semaphore, #tpu.memory_space<semaphore_mem>>, %arg32: memref<!tpu.dma_semaphore, #tpu.memory_space<semaphore_mem>>, %arg33: memref<!tpu.dma_semaphore, #tpu.memory_space<semaphore_mem>>, %arg34: memref<!tpu.dma_semaphore, #tpu.memory_space<semaphore_mem>>, %arg35: memref<!tpu.dma_semaphore, #tpu.memory_space<semaphore_mem>>, %arg36: memref<!tpu.dma_semaphore, #tpu.memory_space<semaphore_mem>>, %arg37: memref<!tpu.dma_semaphore, #tpu.memory_space<semaphore_mem>>, %arg38: memref<!tpu.dma_semaphore, #tpu.memory_space<semaphore_mem>>, %arg39: memref<!tpu.dma_semaphore, #tpu.memory_space<semaphore_mem>>) attributes {dimension_semantics = [#tpu.dimension_semantics<core_parallel>, #tpu.dimension_semantics<subcore_parallel>], iteration_bounds = array<i64: 2, 16>, scalar_prefetch = 0 : i64, scratch_operands = 34 : i64, tpu.core_type = #tpu.core_type<sc_vector_subcore>, window_params = [{transform_indices = #map}, {transform_indices = #map}, {transform_indices = #map}, {transform_indices = #map}]} {
    %mul3A = arith.constant 16 : i32
    %mul3A_0 = arith.muli %arg0, %mul3A : i32
    %add3A = arith.addi %mul3A_0, %arg1 : i32
    %mul3A_1 = arith.constant 512 : i32
    %mul3A_2 = arith.muli %add3A, %mul3A_1 : i32
    %mul3A_3 = arith.constant 200 : i32
    %mul3A_4 = arith.muli %add3A, %mul3A_3 : i32
    "tpu.region"() ({
      %run_scoped3A = tpu.sem_alloc : memref<!tpu.dma_semaphore, #tpu.memory_space<semaphore_mem>>
      %dma_start3A_155 = arith.constant 0 : i32
      %dma_start3A_156 = tpu.memref_slice %arg3[%mul3A_4, %dma_start3A_155] : memref<6400x128xi32, #tpu.memory_space<hbm>> -> memref<200x128xi32, #tpu.memory_space<hbm>>
      %dma_start3A_157 = arith.constant 0 : i32
      %dma_start3A_158 = tpu.memref_slice %arg3[%mul3A_4, %dma_start3A_157] : memref<6400x128xi32, #tpu.memory_space<hbm>> -> memref<200x128xi32, #tpu.memory_space<hbm>>
      tpu.enqueue_dma source(%dma_start3A_158 : memref<200x128xi32, #tpu.memory_space<hbm>>) target(%arg7 : memref<200x128xi32, #tpu.memory_space<vmem>>) target_semaphore(%run_scoped3A : memref<!tpu.dma_semaphore, #tpu.memory_space<semaphore_mem>>)
      %dma_wait3A_159 = arith.constant 0 : i32
      %dma_wait3A_160 = tpu.memref_slice %arg3[%mul3A_4, %dma_wait3A_159] : memref<6400x128xi32, #tpu.memory_space<hbm>> -> memref<200x128xi32, #tpu.memory_space<hbm>>
      %dma_wait3A_161 = arith.constant 0 : i32
      %dma_wait3A_162 = tpu.memref_slice %arg3[%mul3A_4, %dma_wait3A_161] : memref<6400x128xi32, #tpu.memory_space<hbm>> -> memref<200x128xi32, #tpu.memory_space<hbm>>
      tpu.wait_dma2 semaphore(%run_scoped3A : memref<!tpu.dma_semaphore, #tpu.memory_space<semaphore_mem>>) src(%dma_wait3A_162 : memref<200x128xi32, #tpu.memory_space<hbm>>) dst(%arg7 : memref<200x128xi32, #tpu.memory_space<vmem>>)
      tpu.yield
    }) : () -> ()
    %mul3A_5 = arith.constant 200 : i32
    %mul3A_6 = arith.muli %add3A, %mul3A_5 : i32
    "tpu.region"() ({
      %run_scoped3A = tpu.sem_alloc : memref<!tpu.dma_semaphore, #tpu.memory_space<semaphore_mem>>
      %dma_start3A_155 = arith.constant 0 : i32
      %dma_start3A_156 = tpu.memref_slice %arg4[%mul3A_6, %dma_start3A_155] : memref<6400x128xi32, #tpu.memory_space<hbm>> -> memref<200x128xi32, #tpu.memory_space<hbm>>
      %dma_start3A_157 = arith.constant 0 : i32
      %dma_start3A_158 = tpu.memref_slice %arg4[%mul3A_6, %dma_start3A_157] : memref<6400x128xi32, #tpu.memory_space<hbm>> -> memref<200x128xi32, #tpu.memory_space<hbm>>
      tpu.enqueue_dma source(%dma_start3A_158 : memref<200x128xi32, #tpu.memory_space<hbm>>) target(%arg8 : memref<200x128xi32, #tpu.memory_space<vmem>>) target_semaphore(%run_scoped3A : memref<!tpu.dma_semaphore, #tpu.memory_space<semaphore_mem>>)
      %dma_wait3A_159 = arith.constant 0 : i32
      %dma_wait3A_160 = tpu.memref_slice %arg4[%mul3A_6, %dma_wait3A_159] : memref<6400x128xi32, #tpu.memory_space<hbm>> -> memref<200x128xi32, #tpu.memory_space<hbm>>
      %dma_wait3A_161 = arith.constant 0 : i32
      %dma_wait3A_162 = tpu.memref_slice %arg4[%mul3A_6, %dma_wait3A_161] : memref<6400x128xi32, #tpu.memory_space<hbm>> -> memref<200x128xi32, #tpu.memory_space<hbm>>
      tpu.wait_dma2 semaphore(%run_scoped3A : memref<!tpu.dma_semaphore, #tpu.memory_space<semaphore_mem>>) src(%dma_wait3A_162 : memref<200x128xi32, #tpu.memory_space<hbm>>) dst(%arg8 : memref<200x128xi32, #tpu.memory_space<vmem>>)
      tpu.yield
    }) : () -> ()
    %broadcast_in_dim3A = arith.constant 0.000000e+00 : bf16
    %broadcast_in_dim3A_7 = vector.broadcast %broadcast_in_dim3A : bf16 to vector<32xbf16>
    %scan3A = arith.constant 0 : i32
    %scan3A_8 = arith.constant 128 : i32
    %scan3A_9 = arith.addi %scan3A, %scan3A_8 : i32
    %scan3A_10 = arith.constant 1 : i32
    scf.for %scan3A_155 = %scan3A to %scan3A_9 step %scan3A_10  : i32 {
      %mul3A_156 = arith.constant 1 : i32
      %mul3A_157 = arith.muli %scan3A_155, %mul3A_156 : i32
      %add3A_158 = arith.constant 0 : i32
      %add3A_159 = arith.addi %add3A_158, %mul3A_157 : i32
      %swap3A = arith.index_cast %add3A_159 : i32 to index
      %swap3A_160 = arith.constant 0 : index
      %swap3A_161 = tpu.vector_load %arg9[%swap3A, %swap3A_160] {strides = array<i32>} : memref<128x64xbf16, #tpu.memory_space<vmem>>, vector<32xbf16>,
      tpu.vector_store %arg9[%swap3A, %swap3A_160], %broadcast_in_dim3A_7 {strides = array<i32>} : memref<128x64xbf16, #tpu.memory_space<vmem>>, vector<32xbf16>,
      %swap3A_162 = arith.index_cast %add3A_159 : i32 to index
      %swap3A_163 = arith.constant 32 : index
      %swap3A_164 = tpu.vector_load %arg9[%swap3A_162, %swap3A_163] {strides = array<i32>} : memref<128x64xbf16, #tpu.memory_space<vmem>>, vector<32xbf16>,
      tpu.vector_store %arg9[%swap3A_162, %swap3A_163], %broadcast_in_dim3A_7 {strides = array<i32>} : memref<128x64xbf16, #tpu.memory_space<vmem>>, vector<32xbf16>,
    }
    %scan3A_11 = arith.constant 128 : i32
    %mul3A_12 = arith.constant 512 : i32
    %mul3A_13 = arith.muli %arg1, %mul3A_12 : i32
    %add3A_14 = arith.constant 0 : i32
    %add3A_15 = arith.addi %mul3A_13, %add3A_14 : i32
    "tpu.region"() ({
      %run_scoped3A = tpu.sem_alloc : memref<!tpu.dma_semaphore, #tpu.memory_space<semaphore_mem>>
      %dma_start3A_155 = arith.constant 0 : i32
      %dma_start3A_156 = tpu.memref_slice %arg19[%add3A_15, %dma_start3A_155] : memref<8192x64xbf16, #tpu.memory_space<vmem_shared>> -> memref<128x64xbf16, #tpu.memory_space<vmem_shared>>
      %dma_start3A_157 = arith.constant 0 : i32
      %dma_start3A_158 = tpu.memref_slice %arg19[%add3A_15, %dma_start3A_157] : memref<8192x64xbf16, #tpu.memory_space<vmem_shared>> -> memref<128x64xbf16, #tpu.memory_space<vmem_shared>>
      tpu.enqueue_dma source(%arg9 : memref<128x64xbf16, #tpu.memory_space<vmem>>) target(%dma_start3A_158 : memref<128x64xbf16, #tpu.memory_space<vmem_shared>>) target_semaphore(%run_scoped3A : memref<!tpu.dma_semaphore, #tpu.memory_space<semaphore_mem>>)
      %dma_wait3A_159 = arith.constant 0 : i32
      %dma_wait3A_160 = tpu.memref_slice %arg19[%add3A_15, %dma_wait3A_159] : memref<8192x64xbf16, #tpu.memory_space<vmem_shared>> -> memref<128x64xbf16, #tpu.memory_space<vmem_shared>>
      %dma_wait3A_161 = arith.constant 0 : i32
      %dma_wait3A_162 = tpu.memref_slice %arg19[%add3A_15, %dma_wait3A_161] : memref<8192x64xbf16, #tpu.memory_space<vmem_shared>> -> memref<128x64xbf16, #tpu.memory_space<vmem_shared>>
      tpu.wait_dma2 semaphore(%run_scoped3A : memref<!tpu.dma_semaphore, #tpu.memory_space<semaphore_mem>>) src(%arg9 : memref<128x64xbf16, #tpu.memory_space<vmem>>) dst(%dma_wait3A_162 : memref<128x64xbf16, #tpu.memory_space<vmem_shared>>)
      tpu.yield
    }) : () -> ()
    %mul3A_16 = arith.constant 512 : i32
    %mul3A_17 = arith.muli %arg1, %mul3A_16 : i32
    %add3A_18 = arith.constant 128 : i32
    %add3A_19 = arith.addi %mul3A_17, %add3A_18 : i32
    "tpu.region"() ({
      %run_scoped3A = tpu.sem_alloc : memref<!tpu.dma_semaphore, #tpu.memory_space<semaphore_mem>>
      %dma_start3A_155 = arith.constant 0 : i32
      %dma_start3A_156 = tpu.memref_slice %arg19[%add3A_19, %dma_start3A_155] : memref<8192x64xbf16, #tpu.memory_space<vmem_shared>> -> memref<128x64xbf16, #tpu.memory_space<vmem_shared>>
      %dma_start3A_157 = arith.constant 0 : i32
      %dma_start3A_158 = tpu.memref_slice %arg19[%add3A_19, %dma_start3A_157] : memref<8192x64xbf16, #tpu.memory_space<vmem_shared>> -> memref<128x64xbf16, #tpu.memory_space<vmem_shared>>
      tpu.enqueue_dma source(%arg9 : memref<128x64xbf16, #tpu.memory_space<vmem>>) target(%dma_start3A_158 : memref<128x64xbf16, #tpu.memory_space<vmem_shared>>) target_semaphore(%run_scoped3A : memref<!tpu.dma_semaphore, #tpu.memory_space<semaphore_mem>>)
      %dma_wait3A_159 = arith.constant 0 : i32
      %dma_wait3A_160 = tpu.memref_slice %arg19[%add3A_19, %dma_wait3A_159] : memref<8192x64xbf16, #tpu.memory_space<vmem_shared>> -> memref<128x64xbf16, #tpu.memory_space<vmem_shared>>
      %dma_wait3A_161 = arith.constant 0 : i32
      %dma_wait3A_162 = tpu.memref_slice %arg19[%add3A_19, %dma_wait3A_161] : memref<8192x64xbf16, #tpu.memory_space<vmem_shared>> -> memref<128x64xbf16, #tpu.memory_space<vmem_shared>>
      tpu.wait_dma2 semaphore(%run_scoped3A : memref<!tpu.dma_semaphore, #tpu.memory_space<semaphore_mem>>) src(%arg9 : memref<128x64xbf16, #tpu.memory_space<vmem>>) dst(%dma_wait3A_162 : memref<128x64xbf16, #tpu.memory_space<vmem_shared>>)
      tpu.yield
    }) : () -> ()
    %mul3A_20 = arith.constant 512 : i32
    %mul3A_21 = arith.muli %arg1, %mul3A_20 : i32
    %add3A_22 = arith.constant 256 : i32
    %add3A_23 = arith.addi %mul3A_21, %add3A_22 : i32
    "tpu.region"() ({
      %run_scoped3A = tpu.sem_alloc : memref<!tpu.dma_semaphore, #tpu.memory_space<semaphore_mem>>
      %dma_start3A_155 = arith.constant 0 : i32
      %dma_start3A_156 = tpu.memref_slice %arg19[%add3A_23, %dma_start3A_155] : memref<8192x64xbf16, #tpu.memory_space<vmem_shared>> -> memref<128x64xbf16, #tpu.memory_space<vmem_shared>>
      %dma_start3A_157 = arith.constant 0 : i32
      %dma_start3A_158 = tpu.memref_slice %arg19[%add3A_23, %dma_start3A_157] : memref<8192x64xbf16, #tpu.memory_space<vmem_shared>> -> memref<128x64xbf16, #tpu.memory_space<vmem_shared>>
      tpu.enqueue_dma source(%arg9 : memref<128x64xbf16, #tpu.memory_space<vmem>>) target(%dma_start3A_158 : memref<128x64xbf16, #tpu.memory_space<vmem_shared>>) target_semaphore(%run_scoped3A : memref<!tpu.dma_semaphore, #tpu.memory_space<semaphore_mem>>)
      %dma_wait3A_159 = arith.constant 0 : i32
      %dma_wait3A_160 = tpu.memref_slice %arg19[%add3A_23, %dma_wait3A_159] : memref<8192x64xbf16, #tpu.memory_space<vmem_shared>> -> memref<128x64xbf16, #tpu.memory_space<vmem_shared>>
      %dma_wait3A_161 = arith.constant 0 : i32
      %dma_wait3A_162 = tpu.memref_slice %arg19[%add3A_23, %dma_wait3A_161] : memref<8192x64xbf16, #tpu.memory_space<vmem_shared>> -> memref<128x64xbf16, #tpu.memory_space<vmem_shared>>
      tpu.wait_dma2 semaphore(%run_scoped3A : memref<!tpu.dma_semaphore, #tpu.memory_space<semaphore_mem>>) src(%arg9 : memref<128x64xbf16, #tpu.memory_space<vmem>>) dst(%dma_wait3A_162 : memref<128x64xbf16, #tpu.memory_space<vmem_shared>>)
      tpu.yield
    }) : () -> ()
    %mul3A_24 = arith.constant 512 : i32
    %mul3A_25 = arith.muli %arg1, %mul3A_24 : i32
    %add3A_26 = arith.constant 384 : i32
    %add3A_27 = arith.addi %mul3A_25, %add3A_26 : i32
    "tpu.region"() ({
      %run_scoped3A = tpu.sem_alloc : memref<!tpu.dma_semaphore, #tpu.memory_space<semaphore_mem>>
      %dma_start3A_155 = arith.constant 0 : i32
      %dma_start3A_156 = tpu.memref_slice %arg19[%add3A_27, %dma_start3A_155] : memref<8192x64xbf16, #tpu.memory_space<vmem_shared>> -> memref<128x64xbf16, #tpu.memory_space<vmem_shared>>
      %dma_start3A_157 = arith.constant 0 : i32
      %dma_start3A_158 = tpu.memref_slice %arg19[%add3A_27, %dma_start3A_157] : memref<8192x64xbf16, #tpu.memory_space<vmem_shared>> -> memref<128x64xbf16, #tpu.memory_space<vmem_shared>>
      tpu.enqueue_dma source(%arg9 : memref<128x64xbf16, #tpu.memory_space<vmem>>) target(%dma_start3A_158 : memref<128x64xbf16, #tpu.memory_space<vmem_shared>>) target_semaphore(%run_scoped3A : memref<!tpu.dma_semaphore, #tpu.memory_space<semaphore_mem>>)
      %dma_wait3A_159 = arith.constant 0 : i32
      %dma_wait3A_160 = tpu.memref_slice %arg19[%add3A_27, %dma_wait3A_159] : memref<8192x64xbf16, #tpu.memory_space<vmem_shared>> -> memref<128x64xbf16, #tpu.memory_space<vmem_shared>>
      %dma_wait3A_161 = arith.constant 0 : i32
      %dma_wait3A_162 = tpu.memref_slice %arg19[%add3A_27, %dma_wait3A_161] : memref<8192x64xbf16, #tpu.memory_space<vmem_shared>> -> memref<128x64xbf16, #tpu.memory_space<vmem_shared>>
      tpu.wait_dma2 semaphore(%run_scoped3A : memref<!tpu.dma_semaphore, #tpu.memory_space<semaphore_mem>>) src(%arg9 : memref<128x64xbf16, #tpu.memory_space<vmem>>) dst(%dma_wait3A_162 : memref<128x64xbf16, #tpu.memory_space<vmem_shared>>)
      tpu.yield
    }) : () -> ()
    %dma_start3A = arith.constant 0 : i32
    %dma_start3A_28 = arith.constant 0 : i32
    %dma_start3A_29 = tpu.memref_slice %arg7[%dma_start3A, %dma_start3A_28] : memref<200x128xi32, #tpu.memory_space<vmem>> -> memref<1x128xi32, #tpu.memory_space<vmem>>
    %dma_start3A_30 = tpu.memref_squeeze %dma_start3A_29 : memref<1x128xi32, #tpu.memory_space<vmem>> -> memref<128xi32, #tpu.memory_space<vmem>>
    %dma_start3A_31 = arith.constant 0 : i32
    %dma_start3A_32 = arith.constant 0 : i32
    %dma_start3A_33 = tpu.memref_slice %arg2[%dma_start3A_31, %dma_start3A_32] : memref<1001x64xbf16, #tpu.memory_space<hbm>> -> memref<1001x64xbf16, #tpu.memory_space<hbm>>
    tpu.enqueue_indirect_dma source(%dma_start3A_33 : memref<1001x64xbf16, #tpu.memory_space<hbm>>) target(%arg9 : memref<128x64xbf16, #tpu.memory_space<vmem>>) offsets(%dma_start3A_30 : memref<128xi32, #tpu.memory_space<vmem>>) semaphore(%arg20 : memref<!tpu.dma_semaphore, #tpu.memory_space<semaphore_mem>>)
    %dma_start3A_34 = arith.constant 1 : i32
    %dma_start3A_35 = arith.constant 0 : i32
    %dma_start3A_36 = tpu.memref_slice %arg7[%dma_start3A_34, %dma_start3A_35] : memref<200x128xi32, #tpu.memory_space<vmem>> -> memref<1x128xi32, #tpu.memory_space<vmem>>
    %dma_start3A_37 = tpu.memref_squeeze %dma_start3A_36 : memref<1x128xi32, #tpu.memory_space<vmem>> -> memref<128xi32, #tpu.memory_space<vmem>>
    %dma_start3A_38 = arith.constant 0 : i32
    %dma_start3A_39 = arith.constant 0 : i32
    %dma_start3A_40 = tpu.memref_slice %arg2[%dma_start3A_38, %dma_start3A_39] : memref<1001x64xbf16, #tpu.memory_space<hbm>> -> memref<1001x64xbf16, #tpu.memory_space<hbm>>
    tpu.enqueue_indirect_dma source(%dma_start3A_40 : memref<1001x64xbf16, #tpu.memory_space<hbm>>) target(%arg10 : memref<128x64xbf16, #tpu.memory_space<vmem>>) offsets(%dma_start3A_37 : memref<128xi32, #tpu.memory_space<vmem>>) semaphore(%arg21 : memref<!tpu.dma_semaphore, #tpu.memory_space<semaphore_mem>>)
    %dma_start3A_41 = arith.constant 2 : i32
    %dma_start3A_42 = arith.constant 0 : i32
    %dma_start3A_43 = tpu.memref_slice %arg7[%dma_start3A_41, %dma_start3A_42] : memref<200x128xi32, #tpu.memory_space<vmem>> -> memref<1x128xi32, #tpu.memory_space<vmem>>
    %dma_start3A_44 = tpu.memref_squeeze %dma_start3A_43 : memref<1x128xi32, #tpu.memory_space<vmem>> -> memref<128xi32, #tpu.memory_space<vmem>>
    %dma_start3A_45 = arith.constant 0 : i32
    %dma_start3A_46 = arith.constant 0 : i32
    %dma_start3A_47 = tpu.memref_slice %arg2[%dma_start3A_45, %dma_start3A_46] : memref<1001x64xbf16, #tpu.memory_space<hbm>> -> memref<1001x64xbf16, #tpu.memory_space<hbm>>
    tpu.enqueue_indirect_dma source(%dma_start3A_47 : memref<1001x64xbf16, #tpu.memory_space<hbm>>) target(%arg11 : memref<128x64xbf16, #tpu.memory_space<vmem>>) offsets(%dma_start3A_44 : memref<128xi32, #tpu.memory_space<vmem>>) semaphore(%arg22 : memref<!tpu.dma_semaphore, #tpu.memory_space<semaphore_mem>>)
    %dma_start3A_48 = arith.constant 3 : i32
    %dma_start3A_49 = arith.constant 0 : i32
    %dma_start3A_50 = tpu.memref_slice %arg7[%dma_start3A_48, %dma_start3A_49] : memref<200x128xi32, #tpu.memory_space<vmem>> -> memref<1x128xi32, #tpu.memory_space<vmem>>
    %dma_start3A_51 = tpu.memref_squeeze %dma_start3A_50 : memref<1x128xi32, #tpu.memory_space<vmem>> -> memref<128xi32, #tpu.memory_space<vmem>>
    %dma_start3A_52 = arith.constant 0 : i32
    %dma_start3A_53 = arith.constant 0 : i32
    %dma_start3A_54 = tpu.memref_slice %arg2[%dma_start3A_52, %dma_start3A_53] : memref<1001x64xbf16, #tpu.memory_space<hbm>> -> memref<1001x64xbf16, #tpu.memory_space<hbm>>
    tpu.enqueue_indirect_dma source(%dma_start3A_54 : memref<1001x64xbf16, #tpu.memory_space<hbm>>) target(%arg12 : memref<128x64xbf16, #tpu.memory_space<vmem>>) offsets(%dma_start3A_51 : memref<128xi32, #tpu.memory_space<vmem>>) semaphore(%arg23 : memref<!tpu.dma_semaphore, #tpu.memory_space<semaphore_mem>>)
    %dma_start3A_55 = arith.constant 4 : i32
    %dma_start3A_56 = arith.constant 0 : i32
    %dma_start3A_57 = tpu.memref_slice %arg7[%dma_start3A_55, %dma_start3A_56] : memref<200x128xi32, #tpu.memory_space<vmem>> -> memref<1x128xi32, #tpu.memory_space<vmem>>
    %dma_start3A_58 = tpu.memref_squeeze %dma_start3A_57 : memref<1x128xi32, #tpu.memory_space<vmem>> -> memref<128xi32, #tpu.memory_space<vmem>>
    %dma_start3A_59 = arith.constant 0 : i32
    %dma_start3A_60 = arith.constant 0 : i32
    %dma_start3A_61 = tpu.memref_slice %arg2[%dma_start3A_59, %dma_start3A_60] : memref<1001x64xbf16, #tpu.memory_space<hbm>> -> memref<1001x64xbf16, #tpu.memory_space<hbm>>
    tpu.enqueue_indirect_dma source(%dma_start3A_61 : memref<1001x64xbf16, #tpu.memory_space<hbm>>) target(%arg13 : memref<128x64xbf16, #tpu.memory_space<vmem>>) offsets(%dma_start3A_58 : memref<128xi32, #tpu.memory_space<vmem>>) semaphore(%arg24 : memref<!tpu.dma_semaphore, #tpu.memory_space<semaphore_mem>>)
    %scan3A_62 = arith.constant 0 : i32
    %scan3A_63 = arith.constant 20 : i32
    %scan3A_64 = arith.addi %scan3A_62, %scan3A_63 : i32
    %scan3A_65 = arith.constant 1 : i32
    scf.for %scan3A_155 = %scan3A_62 to %scan3A_64 step %scan3A_65  : i32 {
      %mul3A_156 = arith.constant 10 : i32
      %mul3A_157 = arith.muli %scan3A_155, %mul3A_156 : i32
      %add3A_158 = arith.constant 0 : i32
      %add3A_159 = arith.addi %add3A_158, %mul3A_157 : i32
      %add3A_160 = arith.constant 0 : i32
      %add3A_161 = arith.addi %add3A_159, %add3A_160 : i32
      %dma_wait3A_162 = arith.constant 0 : i32
      %dma_wait3A_163 = arith.constant 0 : i32
      %dma_wait3A_164 = tpu.memref_slice %arg7[%dma_wait3A_162, %dma_wait3A_163] : memref<200x128xi32, #tpu.memory_space<vmem>> -> memref<1x128xi32, #tpu.memory_space<vmem>>
      %dma_wait3A_165 = tpu.memref_squeeze %dma_wait3A_164 : memref<1x128xi32, #tpu.memory_space<vmem>> -> memref<128xi32, #tpu.memory_space<vmem>>
      %dma_wait3A_166 = arith.constant 0 : i32
      %dma_wait3A_167 = arith.constant 0 : i32
      %dma_wait3A_168 = tpu.memref_slice %arg2[%dma_wait3A_166, %dma_wait3A_167] : memref<1001x64xbf16, #tpu.memory_space<hbm>> -> memref<1001x64xbf16, #tpu.memory_space<hbm>>
      tpu.wait_indirect_dma semaphore(%arg20 : memref<!tpu.dma_semaphore, #tpu.memory_space<semaphore_mem>>) src(%dma_wait3A_168 : memref<1001x64xbf16, #tpu.memory_space<hbm>>) dst(%arg9 : memref<128x64xbf16, #tpu.memory_space<vmem>>)
      %ge3A = arith.constant 5 : i32
      %ge3A_169 = arith.cmpi sge, %add3A_161, %ge3A : i32
      %convert_element_type3A = arith.extui %ge3A_169 : i1 to i32
      %cond3A = arith.constant 0 : i32
      %cond3A_170 = arith.cmpi ne, %convert_element_type3A, %cond3A : i32
      scf.if %cond3A_170 {
        %dma_wait3A_426 = arith.constant 0 : i32
        %dma_wait3A_427 = arith.constant 0 : i32
        %dma_wait3A_428 = tpu.memref_slice %arg8[%dma_wait3A_426, %dma_wait3A_427] : memref<200x128xi32, #tpu.memory_space<vmem>> -> memref<1x128xi32, #tpu.memory_space<vmem>>
        %dma_wait3A_429 = tpu.memref_squeeze %dma_wait3A_428 : memref<1x128xi32, #tpu.memory_space<vmem>> -> memref<128xi32, #tpu.memory_space<vmem>>
        %dma_wait3A_430 = arith.constant 0 : i32
        %dma_wait3A_431 = arith.constant 0 : i32
        %dma_wait3A_432 = tpu.memref_slice %arg19[%dma_wait3A_430, %dma_wait3A_431] : memref<8192x64xbf16, #tpu.memory_space<vmem_shared>> -> memref<8192x64xbf16, #tpu.memory_space<vmem_shared>>
        tpu.wait_indirect_dma semaphore(%arg35 : memref<!tpu.dma_semaphore, #tpu.memory_space<semaphore_mem>>) src(%arg14 : memref<128x64xbf16, #tpu.memory_space<vmem>>) dst(%dma_wait3A_432 : memref<8192x64xbf16, #tpu.memory_space<vmem_shared>>)
      } else {
      }
      %add3A_171 = arith.constant 5 : i32
      %add3A_172 = arith.addi %add3A_161, %add3A_171 : i32
      %lt3A = arith.constant 200 : i32
      %lt3A_173 = arith.cmpi slt, %add3A_172, %lt3A : i32
      %convert_element_type3A_174 = arith.extui %lt3A_173 : i1 to i32
      %cond3A_175 = arith.constant 0 : i32
      %cond3A_176 = arith.cmpi ne, %convert_element_type3A_174, %cond3A_175 : i32
      scf.if %cond3A_176 {
        %add3A_426 = arith.constant 5 : i32
        %add3A_427 = arith.addi %add3A_161, %add3A_426 : i32
        %dma_start3A_428 = arith.constant 0 : i32
        %dma_start3A_429 = tpu.memref_slice %arg7[%add3A_427, %dma_start3A_428] : memref<200x128xi32, #tpu.memory_space<vmem>> -> memref<1x128xi32, #tpu.memory_space<vmem>>
        %dma_start3A_430 = tpu.memref_squeeze %dma_start3A_429 : memref<1x128xi32, #tpu.memory_space<vmem>> -> memref<128xi32, #tpu.memory_space<vmem>>
        %dma_start3A_431 = arith.constant 0 : i32
        %dma_start3A_432 = arith.constant 0 : i32
        %dma_start3A_433 = tpu.memref_slice %arg2[%dma_start3A_431, %dma_start3A_432] : memref<1001x64xbf16, #tpu.memory_space<hbm>> -> memref<1001x64xbf16, #tpu.memory_space<hbm>>
        tpu.enqueue_indirect_dma source(%dma_start3A_433 : memref<1001x64xbf16, #tpu.memory_space<hbm>>) target(%arg14 : memref<128x64xbf16, #tpu.memory_space<vmem>>) offsets(%dma_start3A_430 : memref<128xi32, #tpu.memory_space<vmem>>) semaphore(%arg25 : memref<!tpu.dma_semaphore, #tpu.memory_space<semaphore_mem>>)
      } else {
      }
      %dma_start3A_177 = arith.constant 0 : i32
      %dma_start3A_178 = tpu.memref_slice %arg8[%add3A_161, %dma_start3A_177] : memref<200x128xi32, #tpu.memory_space<vmem>> -> memref<1x128xi32, #tpu.memory_space<vmem>>
      %dma_start3A_179 = tpu.memref_squeeze %dma_start3A_178 : memref<1x128xi32, #tpu.memory_space<vmem>> -> memref<128xi32, #tpu.memory_space<vmem>>
      %dma_start3A_180 = arith.constant 0 : i32
      %dma_start3A_181 = arith.constant 0 : i32
      %dma_start3A_182 = tpu.memref_slice %arg19[%dma_start3A_180, %dma_start3A_181] : memref<8192x64xbf16, #tpu.memory_space<vmem_shared>> -> memref<8192x64xbf16, #tpu.memory_space<vmem_shared>>
      tpu.enqueue_indirect_dma source(%arg9 : memref<128x64xbf16, #tpu.memory_space<vmem>>) target(%dma_start3A_182 : memref<8192x64xbf16, #tpu.memory_space<vmem_shared>>) offsets(%dma_start3A_179 : memref<128xi32, #tpu.memory_space<vmem>>) semaphore(%arg30 : memref<!tpu.dma_semaphore, #tpu.memory_space<semaphore_mem>>) {add = true}
      %add3A_183 = arith.constant 1 : i32
      %add3A_184 = arith.addi %add3A_159, %add3A_183 : i32
      %dma_wait3A_185 = arith.constant 0 : i32
      %dma_wait3A_186 = arith.constant 0 : i32
      %dma_wait3A_187 = tpu.memref_slice %arg7[%dma_wait3A_185, %dma_wait3A_186] : memref<200x128xi32, #tpu.memory_space<vmem>> -> memref<1x128xi32, #tpu.memory_space<vmem>>
      %dma_wait3A_188 = tpu.memref_squeeze %dma_wait3A_187 : memref<1x128xi32, #tpu.memory_space<vmem>> -> memref<128xi32, #tpu.memory_space<vmem>>
      %dma_wait3A_189 = arith.constant 0 : i32
      %dma_wait3A_190 = arith.constant 0 : i32
      %dma_wait3A_191 = tpu.memref_slice %arg2[%dma_wait3A_189, %dma_wait3A_190] : memref<1001x64xbf16, #tpu.memory_space<hbm>> -> memref<1001x64xbf16, #tpu.memory_space<hbm>>
      tpu.wait_indirect_dma semaphore(%arg21 : memref<!tpu.dma_semaphore, #tpu.memory_space<semaphore_mem>>) src(%dma_wait3A_191 : memref<1001x64xbf16, #tpu.memory_space<hbm>>) dst(%arg10 : memref<128x64xbf16, #tpu.memory_space<vmem>>)
      %ge3A_192 = arith.constant 5 : i32
      %ge3A_193 = arith.cmpi sge, %add3A_184, %ge3A_192 : i32
      %convert_element_type3A_194 = arith.extui %ge3A_193 : i1 to i32
      %cond3A_195 = arith.constant 0 : i32
      %cond3A_196 = arith.cmpi ne, %convert_element_type3A_194, %cond3A_195 : i32
      scf.if %cond3A_196 {
        %dma_wait3A_426 = arith.constant 0 : i32
        %dma_wait3A_427 = arith.constant 0 : i32
        %dma_wait3A_428 = tpu.memref_slice %arg8[%dma_wait3A_426, %dma_wait3A_427] : memref<200x128xi32, #tpu.memory_space<vmem>> -> memref<1x128xi32, #tpu.memory_space<vmem>>
        %dma_wait3A_429 = tpu.memref_squeeze %dma_wait3A_428 : memref<1x128xi32, #tpu.memory_space<vmem>> -> memref<128xi32, #tpu.memory_space<vmem>>
        %dma_wait3A_430 = arith.constant 0 : i32
        %dma_wait3A_431 = arith.constant 0 : i32
        %dma_wait3A_432 = tpu.memref_slice %arg19[%dma_wait3A_430, %dma_wait3A_431] : memref<8192x64xbf16, #tpu.memory_space<vmem_shared>> -> memref<8192x64xbf16, #tpu.memory_space<vmem_shared>>
        tpu.wait_indirect_dma semaphore(%arg36 : memref<!tpu.dma_semaphore, #tpu.memory_space<semaphore_mem>>) src(%arg15 : memref<128x64xbf16, #tpu.memory_space<vmem>>) dst(%dma_wait3A_432 : memref<8192x64xbf16, #tpu.memory_space<vmem_shared>>)
      } else {
      }
      %add3A_197 = arith.constant 5 : i32
      %add3A_198 = arith.addi %add3A_184, %add3A_197 : i32
      %lt3A_199 = arith.constant 200 : i32
      %lt3A_200 = arith.cmpi slt, %add3A_198, %lt3A_199 : i32
      %convert_element_type3A_201 = arith.extui %lt3A_200 : i1 to i32
      %cond3A_202 = arith.constant 0 : i32
      %cond3A_203 = arith.cmpi ne, %convert_element_type3A_201, %cond3A_202 : i32
      scf.if %cond3A_203 {
        %add3A_426 = arith.constant 5 : i32
        %add3A_427 = arith.addi %add3A_184, %add3A_426 : i32
        %dma_start3A_428 = arith.constant 0 : i32
        %dma_start3A_429 = tpu.memref_slice %arg7[%add3A_427, %dma_start3A_428] : memref<200x128xi32, #tpu.memory_space<vmem>> -> memref<1x128xi32, #tpu.memory_space<vmem>>
        %dma_start3A_430 = tpu.memref_squeeze %dma_start3A_429 : memref<1x128xi32, #tpu.memory_space<vmem>> -> memref<128xi32, #tpu.memory_space<vmem>>
        %dma_start3A_431 = arith.constant 0 : i32
        %dma_start3A_432 = arith.constant 0 : i32
        %dma_start3A_433 = tpu.memref_slice %arg2[%dma_start3A_431, %dma_start3A_432] : memref<1001x64xbf16, #tpu.memory_space<hbm>> -> memref<1001x64xbf16, #tpu.memory_space<hbm>>
        tpu.enqueue_indirect_dma source(%dma_start3A_433 : memref<1001x64xbf16, #tpu.memory_space<hbm>>) target(%arg15 : memref<128x64xbf16, #tpu.memory_space<vmem>>) offsets(%dma_start3A_430 : memref<128xi32, #tpu.memory_space<vmem>>) semaphore(%arg26 : memref<!tpu.dma_semaphore, #tpu.memory_space<semaphore_mem>>)
      } else {
      }
      %dma_start3A_204 = arith.constant 0 : i32
      %dma_start3A_205 = tpu.memref_slice %arg8[%add3A_184, %dma_start3A_204] : memref<200x128xi32, #tpu.memory_space<vmem>> -> memref<1x128xi32, #tpu.memory_space<vmem>>
      %dma_start3A_206 = tpu.memref_squeeze %dma_start3A_205 : memref<1x128xi32, #tpu.memory_space<vmem>> -> memref<128xi32, #tpu.memory_space<vmem>>
      %dma_start3A_207 = arith.constant 0 : i32
      %dma_start3A_208 = arith.constant 0 : i32
      %dma_start3A_209 = tpu.memref_slice %arg19[%dma_start3A_207, %dma_start3A_208] : memref<8192x64xbf16, #tpu.memory_space<vmem_shared>> -> memref<8192x64xbf16, #tpu.memory_space<vmem_shared>>
      tpu.enqueue_indirect_dma source(%arg10 : memref<128x64xbf16, #tpu.memory_space<vmem>>) target(%dma_start3A_209 : memref<8192x64xbf16, #tpu.memory_space<vmem_shared>>) offsets(%dma_start3A_206 : memref<128xi32, #tpu.memory_space<vmem>>) semaphore(%arg31 : memref<!tpu.dma_semaphore, #tpu.memory_space<semaphore_mem>>) {add = true}
      %add3A_210 = arith.constant 2 : i32
      %add3A_211 = arith.addi %add3A_159, %add3A_210 : i32
      %dma_wait3A_212 = arith.constant 0 : i32
      %dma_wait3A_213 = arith.constant 0 : i32
      %dma_wait3A_214 = tpu.memref_slice %arg7[%dma_wait3A_212, %dma_wait3A_213] : memref<200x128xi32, #tpu.memory_space<vmem>> -> memref<1x128xi32, #tpu.memory_space<vmem>>
      %dma_wait3A_215 = tpu.memref_squeeze %dma_wait3A_214 : memref<1x128xi32, #tpu.memory_space<vmem>> -> memref<128xi32, #tpu.memory_space<vmem>>
      %dma_wait3A_216 = arith.constant 0 : i32
      %dma_wait3A_217 = arith.constant 0 : i32
      %dma_wait3A_218 = tpu.memref_slice %arg2[%dma_wait3A_216, %dma_wait3A_217] : memref<1001x64xbf16, #tpu.memory_space<hbm>> -> memref<1001x64xbf16, #tpu.memory_space<hbm>>
      tpu.wait_indirect_dma semaphore(%arg22 : memref<!tpu.dma_semaphore, #tpu.memory_space<semaphore_mem>>) src(%dma_wait3A_218 : memref<1001x64xbf16, #tpu.memory_space<hbm>>) dst(%arg11 : memref<128x64xbf16, #tpu.memory_space<vmem>>)
      %ge3A_219 = arith.constant 5 : i32
      %ge3A_220 = arith.cmpi sge, %add3A_211, %ge3A_219 : i32
      %convert_element_type3A_221 = arith.extui %ge3A_220 : i1 to i32
      %cond3A_222 = arith.constant 0 : i32
      %cond3A_223 = arith.cmpi ne, %convert_element_type3A_221, %cond3A_222 : i32
      scf.if %cond3A_223 {
        %dma_wait3A_426 = arith.constant 0 : i32
        %dma_wait3A_427 = arith.constant 0 : i32
        %dma_wait3A_428 = tpu.memref_slice %arg8[%dma_wait3A_426, %dma_wait3A_427] : memref<200x128xi32, #tpu.memory_space<vmem>> -> memref<1x128xi32, #tpu.memory_space<vmem>>
        %dma_wait3A_429 = tpu.memref_squeeze %dma_wait3A_428 : memref<1x128xi32, #tpu.memory_space<vmem>> -> memref<128xi32, #tpu.memory_space<vmem>>
        %dma_wait3A_430 = arith.constant 0 : i32
        %dma_wait3A_431 = arith.constant 0 : i32
        %dma_wait3A_432 = tpu.memref_slice %arg19[%dma_wait3A_430, %dma_wait3A_431] : memref<8192x64xbf16, #tpu.memory_space<vmem_shared>> -> memref<8192x64xbf16, #tpu.memory_space<vmem_shared>>
        tpu.wait_indirect_dma semaphore(%arg37 : memref<!tpu.dma_semaphore, #tpu.memory_space<semaphore_mem>>) src(%arg16 : memref<128x64xbf16, #tpu.memory_space<vmem>>) dst(%dma_wait3A_432 : memref<8192x64xbf16, #tpu.memory_space<vmem_shared>>)
      } else {
      }
      %add3A_224 = arith.constant 5 : i32
      %add3A_225 = arith.addi %add3A_211, %add3A_224 : i32
      %lt3A_226 = arith.constant 200 : i32
      %lt3A_227 = arith.cmpi slt, %add3A_225, %lt3A_226 : i32
      %convert_element_type3A_228 = arith.extui %lt3A_227 : i1 to i32
      %cond3A_229 = arith.constant 0 : i32
      %cond3A_230 = arith.cmpi ne, %convert_element_type3A_228, %cond3A_229 : i32
      scf.if %cond3A_230 {
        %add3A_426 = arith.constant 5 : i32
        %add3A_427 = arith.addi %add3A_211, %add3A_426 : i32
        %dma_start3A_428 = arith.constant 0 : i32
        %dma_start3A_429 = tpu.memref_slice %arg7[%add3A_427, %dma_start3A_428] : memref<200x128xi32, #tpu.memory_space<vmem>> -> memref<1x128xi32, #tpu.memory_space<vmem>>
        %dma_start3A_430 = tpu.memref_squeeze %dma_start3A_429 : memref<1x128xi32, #tpu.memory_space<vmem>> -> memref<128xi32, #tpu.memory_space<vmem>>
        %dma_start3A_431 = arith.constant 0 : i32
        %dma_start3A_432 = arith.constant 0 : i32
        %dma_start3A_433 = tpu.memref_slice %arg2[%dma_start3A_431, %dma_start3A_432] : memref<1001x64xbf16, #tpu.memory_space<hbm>> -> memref<1001x64xbf16, #tpu.memory_space<hbm>>
        tpu.enqueue_indirect_dma source(%dma_start3A_433 : memref<1001x64xbf16, #tpu.memory_space<hbm>>) target(%arg16 : memref<128x64xbf16, #tpu.memory_space<vmem>>) offsets(%dma_start3A_430 : memref<128xi32, #tpu.memory_space<vmem>>) semaphore(%arg27 : memref<!tpu.dma_semaphore, #tpu.memory_space<semaphore_mem>>)
      } else {
      }
      %dma_start3A_231 = arith.constant 0 : i32
      %dma_start3A_232 = tpu.memref_slice %arg8[%add3A_211, %dma_start3A_231] : memref<200x128xi32, #tpu.memory_space<vmem>> -> memref<1x128xi32, #tpu.memory_space<vmem>>
      %dma_start3A_233 = tpu.memref_squeeze %dma_start3A_232 : memref<1x128xi32, #tpu.memory_space<vmem>> -> memref<128xi32, #tpu.memory_space<vmem>>
      %dma_start3A_234 = arith.constant 0 : i32
      %dma_start3A_235 = arith.constant 0 : i32
      %dma_start3A_236 = tpu.memref_slice %arg19[%dma_start3A_234, %dma_start3A_235] : memref<8192x64xbf16, #tpu.memory_space<vmem_shared>> -> memref<8192x64xbf16, #tpu.memory_space<vmem_shared>>
      tpu.enqueue_indirect_dma source(%arg11 : memref<128x64xbf16, #tpu.memory_space<vmem>>) target(%dma_start3A_236 : memref<8192x64xbf16, #tpu.memory_space<vmem_shared>>) offsets(%dma_start3A_233 : memref<128xi32, #tpu.memory_space<vmem>>) semaphore(%arg32 : memref<!tpu.dma_semaphore, #tpu.memory_space<semaphore_mem>>) {add = true}
      %add3A_237 = arith.constant 3 : i32
      %add3A_238 = arith.addi %add3A_159, %add3A_237 : i32
      %dma_wait3A_239 = arith.constant 0 : i32
      %dma_wait3A_240 = arith.constant 0 : i32
      %dma_wait3A_241 = tpu.memref_slice %arg7[%dma_wait3A_239, %dma_wait3A_240] : memref<200x128xi32, #tpu.memory_space<vmem>> -> memref<1x128xi32, #tpu.memory_space<vmem>>
      %dma_wait3A_242 = tpu.memref_squeeze %dma_wait3A_241 : memref<1x128xi32, #tpu.memory_space<vmem>> -> memref<128xi32, #tpu.memory_space<vmem>>
      %dma_wait3A_243 = arith.constant 0 : i32
      %dma_wait3A_244 = arith.constant 0 : i32
      %dma_wait3A_245 = tpu.memref_slice %arg2[%dma_wait3A_243, %dma_wait3A_244] : memref<1001x64xbf16, #tpu.memory_space<hbm>> -> memref<1001x64xbf16, #tpu.memory_space<hbm>>
      tpu.wait_indirect_dma semaphore(%arg23 : memref<!tpu.dma_semaphore, #tpu.memory_space<semaphore_mem>>) src(%dma_wait3A_245 : memref<1001x64xbf16, #tpu.memory_space<hbm>>) dst(%arg12 : memref<128x64xbf16, #tpu.memory_space<vmem>>)
      %ge3A_246 = arith.constant 5 : i32
      %ge3A_247 = arith.cmpi sge, %add3A_238, %ge3A_246 : i32
      %convert_element_type3A_248 = arith.extui %ge3A_247 : i1 to i32
      %cond3A_249 = arith.constant 0 : i32
      %cond3A_250 = arith.cmpi ne, %convert_element_type3A_248, %cond3A_249 : i32
      scf.if %cond3A_250 {
        %dma_wait3A_426 = arith.constant 0 : i32
        %dma_wait3A_427 = arith.constant 0 : i32
        %dma_wait3A_428 = tpu.memref_slice %arg8[%dma_wait3A_426, %dma_wait3A_427] : memref<200x128xi32, #tpu.memory_space<vmem>> -> memref<1x128xi32, #tpu.memory_space<vmem>>
        %dma_wait3A_429 = tpu.memref_squeeze %dma_wait3A_428 : memref<1x128xi32, #tpu.memory_space<vmem>> -> memref<128xi32, #tpu.memory_space<vmem>>
        %dma_wait3A_430 = arith.constant 0 : i32
        %dma_wait3A_431 = arith.constant 0 : i32
        %dma_wait3A_432 = tpu.memref_slice %arg19[%dma_wait3A_430, %dma_wait3A_431] : memref<8192x64xbf16, #tpu.memory_space<vmem_shared>> -> memref<8192x64xbf16, #tpu.memory_space<vmem_shared>>
        tpu.wait_indirect_dma semaphore(%arg38 : memref<!tpu.dma_semaphore, #tpu.memory_space<semaphore_mem>>) src(%arg17 : memref<128x64xbf16, #tpu.memory_space<vmem>>) dst(%dma_wait3A_432 : memref<8192x64xbf16, #tpu.memory_space<vmem_shared>>)
      } else {
      }
      %add3A_251 = arith.constant 5 : i32
      %add3A_252 = arith.addi %add3A_238, %add3A_251 : i32
      %lt3A_253 = arith.constant 200 : i32
      %lt3A_254 = arith.cmpi slt, %add3A_252, %lt3A_253 : i32
      %convert_element_type3A_255 = arith.extui %lt3A_254 : i1 to i32
      %cond3A_256 = arith.constant 0 : i32
      %cond3A_257 = arith.cmpi ne, %convert_element_type3A_255, %cond3A_256 : i32
      scf.if %cond3A_257 {
        %add3A_426 = arith.constant 5 : i32
        %add3A_427 = arith.addi %add3A_238, %add3A_426 : i32
        %dma_start3A_428 = arith.constant 0 : i32
        %dma_start3A_429 = tpu.memref_slice %arg7[%add3A_427, %dma_start3A_428] : memref<200x128xi32, #tpu.memory_space<vmem>> -> memref<1x128xi32, #tpu.memory_space<vmem>>
        %dma_start3A_430 = tpu.memref_squeeze %dma_start3A_429 : memref<1x128xi32, #tpu.memory_space<vmem>> -> memref<128xi32, #tpu.memory_space<vmem>>
        %dma_start3A_431 = arith.constant 0 : i32
        %dma_start3A_432 = arith.constant 0 : i32
        %dma_start3A_433 = tpu.memref_slice %arg2[%dma_start3A_431, %dma_start3A_432] : memref<1001x64xbf16, #tpu.memory_space<hbm>> -> memref<1001x64xbf16, #tpu.memory_space<hbm>>
        tpu.enqueue_indirect_dma source(%dma_start3A_433 : memref<1001x64xbf16, #tpu.memory_space<hbm>>) target(%arg17 : memref<128x64xbf16, #tpu.memory_space<vmem>>) offsets(%dma_start3A_430 : memref<128xi32, #tpu.memory_space<vmem>>) semaphore(%arg28 : memref<!tpu.dma_semaphore, #tpu.memory_space<semaphore_mem>>)
      } else {
      }
      %dma_start3A_258 = arith.constant 0 : i32
      %dma_start3A_259 = tpu.memref_slice %arg8[%add3A_238, %dma_start3A_258] : memref<200x128xi32, #tpu.memory_space<vmem>> -> memref<1x128xi32, #tpu.memory_space<vmem>>
      %dma_start3A_260 = tpu.memref_squeeze %dma_start3A_259 : memref<1x128xi32, #tpu.memory_space<vmem>> -> memref<128xi32, #tpu.memory_space<vmem>>
      %dma_start3A_261 = arith.constant 0 : i32
      %dma_start3A_262 = arith.constant 0 : i32
      %dma_start3A_263 = tpu.memref_slice %arg19[%dma_start3A_261, %dma_start3A_262] : memref<8192x64xbf16, #tpu.memory_space<vmem_shared>> -> memref<8192x64xbf16, #tpu.memory_space<vmem_shared>>
      tpu.enqueue_indirect_dma source(%arg12 : memref<128x64xbf16, #tpu.memory_space<vmem>>) target(%dma_start3A_263 : memref<8192x64xbf16, #tpu.memory_space<vmem_shared>>) offsets(%dma_start3A_260 : memref<128xi32, #tpu.memory_space<vmem>>) semaphore(%arg33 : memref<!tpu.dma_semaphore, #tpu.memory_space<semaphore_mem>>) {add = true}
      %add3A_264 = arith.constant 4 : i32
      %add3A_265 = arith.addi %add3A_159, %add3A_264 : i32
      %dma_wait3A_266 = arith.constant 0 : i32
      %dma_wait3A_267 = arith.constant 0 : i32
      %dma_wait3A_268 = tpu.memref_slice %arg7[%dma_wait3A_266, %dma_wait3A_267] : memref<200x128xi32, #tpu.memory_space<vmem>> -> memref<1x128xi32, #tpu.memory_space<vmem>>
      %dma_wait3A_269 = tpu.memref_squeeze %dma_wait3A_268 : memref<1x128xi32, #tpu.memory_space<vmem>> -> memref<128xi32, #tpu.memory_space<vmem>>
      %dma_wait3A_270 = arith.constant 0 : i32
      %dma_wait3A_271 = arith.constant 0 : i32
      %dma_wait3A_272 = tpu.memref_slice %arg2[%dma_wait3A_270, %dma_wait3A_271] : memref<1001x64xbf16, #tpu.memory_space<hbm>> -> memref<1001x64xbf16, #tpu.memory_space<hbm>>
      tpu.wait_indirect_dma semaphore(%arg24 : memref<!tpu.dma_semaphore, #tpu.memory_space<semaphore_mem>>) src(%dma_wait3A_272 : memref<1001x64xbf16, #tpu.memory_space<hbm>>) dst(%arg13 : memref<128x64xbf16, #tpu.memory_space<vmem>>)
      %ge3A_273 = arith.constant 5 : i32
      %ge3A_274 = arith.cmpi sge, %add3A_265, %ge3A_273 : i32
      %convert_element_type3A_275 = arith.extui %ge3A_274 : i1 to i32
      %cond3A_276 = arith.constant 0 : i32
      %cond3A_277 = arith.cmpi ne, %convert_element_type3A_275, %cond3A_276 : i32
      scf.if %cond3A_277 {
        %dma_wait3A_426 = arith.constant 0 : i32
        %dma_wait3A_427 = arith.constant 0 : i32
        %dma_wait3A_428 = tpu.memref_slice %arg8[%dma_wait3A_426, %dma_wait3A_427] : memref<200x128xi32, #tpu.memory_space<vmem>> -> memref<1x128xi32, #tpu.memory_space<vmem>>
        %dma_wait3A_429 = tpu.memref_squeeze %dma_wait3A_428 : memref<1x128xi32, #tpu.memory_space<vmem>> -> memref<128xi32, #tpu.memory_space<vmem>>
        %dma_wait3A_430 = arith.constant 0 : i32
        %dma_wait3A_431 = arith.constant 0 : i32
        %dma_wait3A_432 = tpu.memref_slice %arg19[%dma_wait3A_430, %dma_wait3A_431] : memref<8192x64xbf16, #tpu.memory_space<vmem_shared>> -> memref<8192x64xbf16, #tpu.memory_space<vmem_shared>>
        tpu.wait_indirect_dma semaphore(%arg39 : memref<!tpu.dma_semaphore, #tpu.memory_space<semaphore_mem>>) src(%arg18 : memref<128x64xbf16, #tpu.memory_space<vmem>>) dst(%dma_wait3A_432 : memref<8192x64xbf16, #tpu.memory_space<vmem_shared>>)
      } else {
      }
      %add3A_278 = arith.constant 5 : i32
      %add3A_279 = arith.addi %add3A_265, %add3A_278 : i32
      %lt3A_280 = arith.constant 200 : i32
      %lt3A_281 = arith.cmpi slt, %add3A_279, %lt3A_280 : i32
      %convert_element_type3A_282 = arith.extui %lt3A_281 : i1 to i32
      %cond3A_283 = arith.constant 0 : i32
      %cond3A_284 = arith.cmpi ne, %convert_element_type3A_282, %cond3A_283 : i32
      scf.if %cond3A_284 {
        %add3A_426 = arith.constant 5 : i32
        %add3A_427 = arith.addi %add3A_265, %add3A_426 : i32
        %dma_start3A_428 = arith.constant 0 : i32
        %dma_start3A_429 = tpu.memref_slice %arg7[%add3A_427, %dma_start3A_428] : memref<200x128xi32, #tpu.memory_space<vmem>> -> memref<1x128xi32, #tpu.memory_space<vmem>>
        %dma_start3A_430 = tpu.memref_squeeze %dma_start3A_429 : memref<1x128xi32, #tpu.memory_space<vmem>> -> memref<128xi32, #tpu.memory_space<vmem>>
        %dma_start3A_431 = arith.constant 0 : i32
        %dma_start3A_432 = arith.constant 0 : i32
        %dma_start3A_433 = tpu.memref_slice %arg2[%dma_start3A_431, %dma_start3A_432] : memref<1001x64xbf16, #tpu.memory_space<hbm>> -> memref<1001x64xbf16, #tpu.memory_space<hbm>>
        tpu.enqueue_indirect_dma source(%dma_start3A_433 : memref<1001x64xbf16, #tpu.memory_space<hbm>>) target(%arg18 : memref<128x64xbf16, #tpu.memory_space<vmem>>) offsets(%dma_start3A_430 : memref<128xi32, #tpu.memory_space<vmem>>) semaphore(%arg29 : memref<!tpu.dma_semaphore, #tpu.memory_space<semaphore_mem>>)
      } else {
      }
      %dma_start3A_285 = arith.constant 0 : i32
      %dma_start3A_286 = tpu.memref_slice %arg8[%add3A_265, %dma_start3A_285] : memref<200x128xi32, #tpu.memory_space<vmem>> -> memref<1x128xi32, #tpu.memory_space<vmem>>
      %dma_start3A_287 = tpu.memref_squeeze %dma_start3A_286 : memref<1x128xi32, #tpu.memory_space<vmem>> -> memref<128xi32, #tpu.memory_space<vmem>>
      %dma_start3A_288 = arith.constant 0 : i32
      %dma_start3A_289 = arith.constant 0 : i32
      %dma_start3A_290 = tpu.memref_slice %arg19[%dma_start3A_288, %dma_start3A_289] : memref<8192x64xbf16, #tpu.memory_space<vmem_shared>> -> memref<8192x64xbf16, #tpu.memory_space<vmem_shared>>
      tpu.enqueue_indirect_dma source(%arg13 : memref<128x64xbf16, #tpu.memory_space<vmem>>) target(%dma_start3A_290 : memref<8192x64xbf16, #tpu.memory_space<vmem_shared>>) offsets(%dma_start3A_287 : memref<128xi32, #tpu.memory_space<vmem>>) semaphore(%arg34 : memref<!tpu.dma_semaphore, #tpu.memory_space<semaphore_mem>>) {add = true}
      %add3A_291 = arith.constant 5 : i32
      %add3A_292 = arith.addi %add3A_159, %add3A_291 : i32
      %dma_wait3A_293 = arith.constant 0 : i32
      %dma_wait3A_294 = arith.constant 0 : i32
      %dma_wait3A_295 = tpu.memref_slice %arg7[%dma_wait3A_293, %dma_wait3A_294] : memref<200x128xi32, #tpu.memory_space<vmem>> -> memref<1x128xi32, #tpu.memory_space<vmem>>
      %dma_wait3A_296 = tpu.memref_squeeze %dma_wait3A_295 : memref<1x128xi32, #tpu.memory_space<vmem>> -> memref<128xi32, #tpu.memory_space<vmem>>
      %dma_wait3A_297 = arith.constant 0 : i32
      %dma_wait3A_298 = arith.constant 0 : i32
      %dma_wait3A_299 = tpu.memref_slice %arg2[%dma_wait3A_297, %dma_wait3A_298] : memref<1001x64xbf16, #tpu.memory_space<hbm>> -> memref<1001x64xbf16, #tpu.memory_space<hbm>>
      tpu.wait_indirect_dma semaphore(%arg25 : memref<!tpu.dma_semaphore, #tpu.memory_space<semaphore_mem>>) src(%dma_wait3A_299 : memref<1001x64xbf16, #tpu.memory_space<hbm>>) dst(%arg14 : memref<128x64xbf16, #tpu.memory_space<vmem>>)
      %ge3A_300 = arith.constant 5 : i32
      %ge3A_301 = arith.cmpi sge, %add3A_292, %ge3A_300 : i32
      %convert_element_type3A_302 = arith.extui %ge3A_301 : i1 to i32
      %cond3A_303 = arith.constant 0 : i32
      %cond3A_304 = arith.cmpi ne, %convert_element_type3A_302, %cond3A_303 : i32
      scf.if %cond3A_304 {
        %dma_wait3A_426 = arith.constant 0 : i32
        %dma_wait3A_427 = arith.constant 0 : i32
        %dma_wait3A_428 = tpu.memref_slice %arg8[%dma_wait3A_426, %dma_wait3A_427] : memref<200x128xi32, #tpu.memory_space<vmem>> -> memref<1x128xi32, #tpu.memory_space<vmem>>
        %dma_wait3A_429 = tpu.memref_squeeze %dma_wait3A_428 : memref<1x128xi32, #tpu.memory_space<vmem>> -> memref<128xi32, #tpu.memory_space<vmem>>
        %dma_wait3A_430 = arith.constant 0 : i32
        %dma_wait3A_431 = arith.constant 0 : i32
        %dma_wait3A_432 = tpu.memref_slice %arg19[%dma_wait3A_430, %dma_wait3A_431] : memref<8192x64xbf16, #tpu.memory_space<vmem_shared>> -> memref<8192x64xbf16, #tpu.memory_space<vmem_shared>>
        tpu.wait_indirect_dma semaphore(%arg30 : memref<!tpu.dma_semaphore, #tpu.memory_space<semaphore_mem>>) src(%arg9 : memref<128x64xbf16, #tpu.memory_space<vmem>>) dst(%dma_wait3A_432 : memref<8192x64xbf16, #tpu.memory_space<vmem_shared>>)
      } else {
      }
      %add3A_305 = arith.constant 5 : i32
      %add3A_306 = arith.addi %add3A_292, %add3A_305 : i32
      %lt3A_307 = arith.constant 200 : i32
      %lt3A_308 = arith.cmpi slt, %add3A_306, %lt3A_307 : i32
      %convert_element_type3A_309 = arith.extui %lt3A_308 : i1 to i32
      %cond3A_310 = arith.constant 0 : i32
      %cond3A_311 = arith.cmpi ne, %convert_element_type3A_309, %cond3A_310 : i32
      scf.if %cond3A_311 {
        %add3A_426 = arith.constant 5 : i32
        %add3A_427 = arith.addi %add3A_292, %add3A_426 : i32
        %dma_start3A_428 = arith.constant 0 : i32
        %dma_start3A_429 = tpu.memref_slice %arg7[%add3A_427, %dma_start3A_428] : memref<200x128xi32, #tpu.memory_space<vmem>> -> memref<1x128xi32, #tpu.memory_space<vmem>>
        %dma_start3A_430 = tpu.memref_squeeze %dma_start3A_429 : memref<1x128xi32, #tpu.memory_space<vmem>> -> memref<128xi32, #tpu.memory_space<vmem>>
        %dma_start3A_431 = arith.constant 0 : i32
        %dma_start3A_432 = arith.constant 0 : i32
        %dma_start3A_433 = tpu.memref_slice %arg2[%dma_start3A_431, %dma_start3A_432] : memref<1001x64xbf16, #tpu.memory_space<hbm>> -> memref<1001x64xbf16, #tpu.memory_space<hbm>>
        tpu.enqueue_indirect_dma source(%dma_start3A_433 : memref<1001x64xbf16, #tpu.memory_space<hbm>>) target(%arg9 : memref<128x64xbf16, #tpu.memory_space<vmem>>) offsets(%dma_start3A_430 : memref<128xi32, #tpu.memory_space<vmem>>) semaphore(%arg20 : memref<!tpu.dma_semaphore, #tpu.memory_space<semaphore_mem>>)
      } else {
      }
      %dma_start3A_312 = arith.constant 0 : i32
      %dma_start3A_313 = tpu.memref_slice %arg8[%add3A_292, %dma_start3A_312] : memref<200x128xi32, #tpu.memory_space<vmem>> -> memref<1x128xi32, #tpu.memory_space<vmem>>
      %dma_start3A_314 = tpu.memref_squeeze %dma_start3A_313 : memref<1x128xi32, #tpu.memory_space<vmem>> -> memref<128xi32, #tpu.memory_space<vmem>>
      %dma_start3A_315 = arith.constant 0 : i32
      %dma_start3A_316 = arith.constant 0 : i32
      %dma_start3A_317 = tpu.memref_slice %arg19[%dma_start3A_315, %dma_start3A_316] : memref<8192x64xbf16, #tpu.memory_space<vmem_shared>> -> memref<8192x64xbf16, #tpu.memory_space<vmem_shared>>
      tpu.enqueue_indirect_dma source(%arg14 : memref<128x64xbf16, #tpu.memory_space<vmem>>) target(%dma_start3A_317 : memref<8192x64xbf16, #tpu.memory_space<vmem_shared>>) offsets(%dma_start3A_314 : memref<128xi32, #tpu.memory_space<vmem>>) semaphore(%arg35 : memref<!tpu.dma_semaphore, #tpu.memory_space<semaphore_mem>>) {add = true}
      %add3A_318 = arith.constant 6 : i32
      %add3A_319 = arith.addi %add3A_159, %add3A_318 : i32
      %dma_wait3A_320 = arith.constant 0 : i32
      %dma_wait3A_321 = arith.constant 0 : i32
      %dma_wait3A_322 = tpu.memref_slice %arg7[%dma_wait3A_320, %dma_wait3A_321] : memref<200x128xi32, #tpu.memory_space<vmem>> -> memref<1x128xi32, #tpu.memory_space<vmem>>
      %dma_wait3A_323 = tpu.memref_squeeze %dma_wait3A_322 : memref<1x128xi32, #tpu.memory_space<vmem>> -> memref<128xi32, #tpu.memory_space<vmem>>
      %dma_wait3A_324 = arith.constant 0 : i32
      %dma_wait3A_325 = arith.constant 0 : i32
      %dma_wait3A_326 = tpu.memref_slice %arg2[%dma_wait3A_324, %dma_wait3A_325] : memref<1001x64xbf16, #tpu.memory_space<hbm>> -> memref<1001x64xbf16, #tpu.memory_space<hbm>>
      tpu.wait_indirect_dma semaphore(%arg26 : memref<!tpu.dma_semaphore, #tpu.memory_space<semaphore_mem>>) src(%dma_wait3A_326 : memref<1001x64xbf16, #tpu.memory_space<hbm>>) dst(%arg15 : memref<128x64xbf16, #tpu.memory_space<vmem>>)
      %ge3A_327 = arith.constant 5 : i32
      %ge3A_328 = arith.cmpi sge, %add3A_319, %ge3A_327 : i32
      %convert_element_type3A_329 = arith.extui %ge3A_328 : i1 to i32
      %cond3A_330 = arith.constant 0 : i32
      %cond3A_331 = arith.cmpi ne, %convert_element_type3A_329, %cond3A_330 : i32
      scf.if %cond3A_331 {
        %dma_wait3A_426 = arith.constant 0 : i32
        %dma_wait3A_427 = arith.constant 0 : i32
        %dma_wait3A_428 = tpu.memref_slice %arg8[%dma_wait3A_426, %dma_wait3A_427] : memref<200x128xi32, #tpu.memory_space<vmem>> -> memref<1x128xi32, #tpu.memory_space<vmem>>
        %dma_wait3A_429 = tpu.memref_squeeze %dma_wait3A_428 : memref<1x128xi32, #tpu.memory_space<vmem>> -> memref<128xi32, #tpu.memory_space<vmem>>
        %dma_wait3A_430 = arith.constant 0 : i32
        %dma_wait3A_431 = arith.constant 0 : i32
        %dma_wait3A_432 = tpu.memref_slice %arg19[%dma_wait3A_430, %dma_wait3A_431] : memref<8192x64xbf16, #tpu.memory_space<vmem_shared>> -> memref<8192x64xbf16, #tpu.memory_space<vmem_shared>>
        tpu.wait_indirect_dma semaphore(%arg31 : memref<!tpu.dma_semaphore, #tpu.memory_space<semaphore_mem>>) src(%arg10 : memref<128x64xbf16, #tpu.memory_space<vmem>>) dst(%dma_wait3A_432 : memref<8192x64xbf16, #tpu.memory_space<vmem_shared>>)
      } else {
      }
      %add3A_332 = arith.constant 5 : i32
      %add3A_333 = arith.addi %add3A_319, %add3A_332 : i32
      %lt3A_334 = arith.constant 200 : i32
      %lt3A_335 = arith.cmpi slt, %add3A_333, %lt3A_334 : i32
      %convert_element_type3A_336 = arith.extui %lt3A_335 : i1 to i32
      %cond3A_337 = arith.constant 0 : i32
      %cond3A_338 = arith.cmpi ne, %convert_element_type3A_336, %cond3A_337 : i32
      scf.if %cond3A_338 {
        %add3A_426 = arith.constant 5 : i32
        %add3A_427 = arith.addi %add3A_319, %add3A_426 : i32
        %dma_start3A_428 = arith.constant 0 : i32
        %dma_start3A_429 = tpu.memref_slice %arg7[%add3A_427, %dma_start3A_428] : memref<200x128xi32, #tpu.memory_space<vmem>> -> memref<1x128xi32, #tpu.memory_space<vmem>>
        %dma_start3A_430 = tpu.memref_squeeze %dma_start3A_429 : memref<1x128xi32, #tpu.memory_space<vmem>> -> memref<128xi32, #tpu.memory_space<vmem>>
        %dma_start3A_431 = arith.constant 0 : i32
        %dma_start3A_432 = arith.constant 0 : i32
        %dma_start3A_433 = tpu.memref_slice %arg2[%dma_start3A_431, %dma_start3A_432] : memref<1001x64xbf16, #tpu.memory_space<hbm>> -> memref<1001x64xbf16, #tpu.memory_space<hbm>>
        tpu.enqueue_indirect_dma source(%dma_start3A_433 : memref<1001x64xbf16, #tpu.memory_space<hbm>>) target(%arg10 : memref<128x64xbf16, #tpu.memory_space<vmem>>) offsets(%dma_start3A_430 : memref<128xi32, #tpu.memory_space<vmem>>) semaphore(%arg21 : memref<!tpu.dma_semaphore, #tpu.memory_space<semaphore_mem>>)
      } else {
      }
      %dma_start3A_339 = arith.constant 0 : i32
      %dma_start3A_340 = tpu.memref_slice %arg8[%add3A_319, %dma_start3A_339] : memref<200x128xi32, #tpu.memory_space<vmem>> -> memref<1x128xi32, #tpu.memory_space<vmem>>
      %dma_start3A_341 = tpu.memref_squeeze %dma_start3A_340 : memref<1x128xi32, #tpu.memory_space<vmem>> -> memref<128xi32, #tpu.memory_space<vmem>>
      %dma_start3A_342 = arith.constant 0 : i32
      %dma_start3A_343 = arith.constant 0 : i32
      %dma_start3A_344 = tpu.memref_slice %arg19[%dma_start3A_342, %dma_start3A_343] : memref<8192x64xbf16, #tpu.memory_space<vmem_shared>> -> memref<8192x64xbf16, #tpu.memory_space<vmem_shared>>
      tpu.enqueue_indirect_dma source(%arg15 : memref<128x64xbf16, #tpu.memory_space<vmem>>) target(%dma_start3A_344 : memref<8192x64xbf16, #tpu.memory_space<vmem_shared>>) offsets(%dma_start3A_341 : memref<128xi32, #tpu.memory_space<vmem>>) semaphore(%arg36 : memref<!tpu.dma_semaphore, #tpu.memory_space<semaphore_mem>>) {add = true}
      %add3A_345 = arith.constant 7 : i32
      %add3A_346 = arith.addi %add3A_159, %add3A_345 : i32
      %dma_wait3A_347 = arith.constant 0 : i32
      %dma_wait3A_348 = arith.constant 0 : i32
      %dma_wait3A_349 = tpu.memref_slice %arg7[%dma_wait3A_347, %dma_wait3A_348] : memref<200x128xi32, #tpu.memory_space<vmem>> -> memref<1x128xi32, #tpu.memory_space<vmem>>
      %dma_wait3A_350 = tpu.memref_squeeze %dma_wait3A_349 : memref<1x128xi32, #tpu.memory_space<vmem>> -> memref<128xi32, #tpu.memory_space<vmem>>
      %dma_wait3A_351 = arith.constant 0 : i32
      %dma_wait3A_352 = arith.constant 0 : i32
      %dma_wait3A_353 = tpu.memref_slice %arg2[%dma_wait3A_351, %dma_wait3A_352] : memref<1001x64xbf16, #tpu.memory_space<hbm>> -> memref<1001x64xbf16, #tpu.memory_space<hbm>>
      tpu.wait_indirect_dma semaphore(%arg27 : memref<!tpu.dma_semaphore, #tpu.memory_space<semaphore_mem>>) src(%dma_wait3A_353 : memref<1001x64xbf16, #tpu.memory_space<hbm>>) dst(%arg16 : memref<128x64xbf16, #tpu.memory_space<vmem>>)
      %ge3A_354 = arith.constant 5 : i32
      %ge3A_355 = arith.cmpi sge, %add3A_346, %ge3A_354 : i32
      %convert_element_type3A_356 = arith.extui %ge3A_355 : i1 to i32
      %cond3A_357 = arith.constant 0 : i32
      %cond3A_358 = arith.cmpi ne, %convert_element_type3A_356, %cond3A_357 : i32
      scf.if %cond3A_358 {
        %dma_wait3A_426 = arith.constant 0 : i32
        %dma_wait3A_427 = arith.constant 0 : i32
        %dma_wait3A_428 = tpu.memref_slice %arg8[%dma_wait3A_426, %dma_wait3A_427] : memref<200x128xi32, #tpu.memory_space<vmem>> -> memref<1x128xi32, #tpu.memory_space<vmem>>
        %dma_wait3A_429 = tpu.memref_squeeze %dma_wait3A_428 : memref<1x128xi32, #tpu.memory_space<vmem>> -> memref<128xi32, #tpu.memory_space<vmem>>
        %dma_wait3A_430 = arith.constant 0 : i32
        %dma_wait3A_431 = arith.constant 0 : i32
        %dma_wait3A_432 = tpu.memref_slice %arg19[%dma_wait3A_430, %dma_wait3A_431] : memref<8192x64xbf16, #tpu.memory_space<vmem_shared>> -> memref<8192x64xbf16, #tpu.memory_space<vmem_shared>>
        tpu.wait_indirect_dma semaphore(%arg32 : memref<!tpu.dma_semaphore, #tpu.memory_space<semaphore_mem>>) src(%arg11 : memref<128x64xbf16, #tpu.memory_space<vmem>>) dst(%dma_wait3A_432 : memref<8192x64xbf16, #tpu.memory_space<vmem_shared>>)
      } else {
      }
      %add3A_359 = arith.constant 5 : i32
      %add3A_360 = arith.addi %add3A_346, %add3A_359 : i32
      %lt3A_361 = arith.constant 200 : i32
      %lt3A_362 = arith.cmpi slt, %add3A_360, %lt3A_361 : i32
      %convert_element_type3A_363 = arith.extui %lt3A_362 : i1 to i32
      %cond3A_364 = arith.constant 0 : i32
      %cond3A_365 = arith.cmpi ne, %convert_element_type3A_363, %cond3A_364 : i32
      scf.if %cond3A_365 {
        %add3A_426 = arith.constant 5 : i32
        %add3A_427 = arith.addi %add3A_346, %add3A_426 : i32
        %dma_start3A_428 = arith.constant 0 : i32
        %dma_start3A_429 = tpu.memref_slice %arg7[%add3A_427, %dma_start3A_428] : memref<200x128xi32, #tpu.memory_space<vmem>> -> memref<1x128xi32, #tpu.memory_space<vmem>>
        %dma_start3A_430 = tpu.memref_squeeze %dma_start3A_429 : memref<1x128xi32, #tpu.memory_space<vmem>> -> memref<128xi32, #tpu.memory_space<vmem>>
        %dma_start3A_431 = arith.constant 0 : i32
        %dma_start3A_432 = arith.constant 0 : i32
        %dma_start3A_433 = tpu.memref_slice %arg2[%dma_start3A_431, %dma_start3A_432] : memref<1001x64xbf16, #tpu.memory_space<hbm>> -> memref<1001x64xbf16, #tpu.memory_space<hbm>>
        tpu.enqueue_indirect_dma source(%dma_start3A_433 : memref<1001x64xbf16, #tpu.memory_space<hbm>>) target(%arg11 : memref<128x64xbf16, #tpu.memory_space<vmem>>) offsets(%dma_start3A_430 : memref<128xi32, #tpu.memory_space<vmem>>) semaphore(%arg22 : memref<!tpu.dma_semaphore, #tpu.memory_space<semaphore_mem>>)
      } else {
      }
      %dma_start3A_366 = arith.constant 0 : i32
      %dma_start3A_367 = tpu.memref_slice %arg8[%add3A_346, %dma_start3A_366] : memref<200x128xi32, #tpu.memory_space<vmem>> -> memref<1x128xi32, #tpu.memory_space<vmem>>
      %dma_start3A_368 = tpu.memref_squeeze %dma_start3A_367 : memref<1x128xi32, #tpu.memory_space<vmem>> -> memref<128xi32, #tpu.memory_space<vmem>>
      %dma_start3A_369 = arith.constant 0 : i32
      %dma_start3A_370 = arith.constant 0 : i32
      %dma_start3A_371 = tpu.memref_slice %arg19[%dma_start3A_369, %dma_start3A_370] : memref<8192x64xbf16, #tpu.memory_space<vmem_shared>> -> memref<8192x64xbf16, #tpu.memory_space<vmem_shared>>
      tpu.enqueue_indirect_dma source(%arg16 : memref<128x64xbf16, #tpu.memory_space<vmem>>) target(%dma_start3A_371 : memref<8192x64xbf16, #tpu.memory_space<vmem_shared>>) offsets(%dma_start3A_368 : memref<128xi32, #tpu.memory_space<vmem>>) semaphore(%arg37 : memref<!tpu.dma_semaphore, #tpu.memory_space<semaphore_mem>>) {add = true}
      %add3A_372 = arith.constant 8 : i32
      %add3A_373 = arith.addi %add3A_159, %add3A_372 : i32
      %dma_wait3A_374 = arith.constant 0 : i32
      %dma_wait3A_375 = arith.constant 0 : i32
      %dma_wait3A_376 = tpu.memref_slice %arg7[%dma_wait3A_374, %dma_wait3A_375] : memref<200x128xi32, #tpu.memory_space<vmem>> -> memref<1x128xi32, #tpu.memory_space<vmem>>
      %dma_wait3A_377 = tpu.memref_squeeze %dma_wait3A_376 : memref<1x128xi32, #tpu.memory_space<vmem>> -> memref<128xi32, #tpu.memory_space<vmem>>
      %dma_wait3A_378 = arith.constant 0 : i32
      %dma_wait3A_379 = arith.constant 0 : i32
      %dma_wait3A_380 = tpu.memref_slice %arg2[%dma_wait3A_378, %dma_wait3A_379] : memref<1001x64xbf16, #tpu.memory_space<hbm>> -> memref<1001x64xbf16, #tpu.memory_space<hbm>>
      tpu.wait_indirect_dma semaphore(%arg28 : memref<!tpu.dma_semaphore, #tpu.memory_space<semaphore_mem>>) src(%dma_wait3A_380 : memref<1001x64xbf16, #tpu.memory_space<hbm>>) dst(%arg17 : memref<128x64xbf16, #tpu.memory_space<vmem>>)
      %ge3A_381 = arith.constant 5 : i32
      %ge3A_382 = arith.cmpi sge, %add3A_373, %ge3A_381 : i32
      %convert_element_type3A_383 = arith.extui %ge3A_382 : i1 to i32
      %cond3A_384 = arith.constant 0 : i32
      %cond3A_385 = arith.cmpi ne, %convert_element_type3A_383, %cond3A_384 : i32
      scf.if %cond3A_385 {
        %dma_wait3A_426 = arith.constant 0 : i32
        %dma_wait3A_427 = arith.constant 0 : i32
        %dma_wait3A_428 = tpu.memref_slice %arg8[%dma_wait3A_426, %dma_wait3A_427] : memref<200x128xi32, #tpu.memory_space<vmem>> -> memref<1x128xi32, #tpu.memory_space<vmem>>
        %dma_wait3A_429 = tpu.memref_squeeze %dma_wait3A_428 : memref<1x128xi32, #tpu.memory_space<vmem>> -> memref<128xi32, #tpu.memory_space<vmem>>
        %dma_wait3A_430 = arith.constant 0 : i32
        %dma_wait3A_431 = arith.constant 0 : i32
        %dma_wait3A_432 = tpu.memref_slice %arg19[%dma_wait3A_430, %dma_wait3A_431] : memref<8192x64xbf16, #tpu.memory_space<vmem_shared>> -> memref<8192x64xbf16, #tpu.memory_space<vmem_shared>>
        tpu.wait_indirect_dma semaphore(%arg33 : memref<!tpu.dma_semaphore, #tpu.memory_space<semaphore_mem>>) src(%arg12 : memref<128x64xbf16, #tpu.memory_space<vmem>>) dst(%dma_wait3A_432 : memref<8192x64xbf16, #tpu.memory_space<vmem_shared>>)
      } else {
      }
      %add3A_386 = arith.constant 5 : i32
      %add3A_387 = arith.addi %add3A_373, %add3A_386 : i32
      %lt3A_388 = arith.constant 200 : i32
      %lt3A_389 = arith.cmpi slt, %add3A_387, %lt3A_388 : i32
      %convert_element_type3A_390 = arith.extui %lt3A_389 : i1 to i32
      %cond3A_391 = arith.constant 0 : i32
      %cond3A_392 = arith.cmpi ne, %convert_element_type3A_390, %cond3A_391 : i32
      scf.if %cond3A_392 {
        %add3A_426 = arith.constant 5 : i32
        %add3A_427 = arith.addi %add3A_373, %add3A_426 : i32
        %dma_start3A_428 = arith.constant 0 : i32
        %dma_start3A_429 = tpu.memref_slice %arg7[%add3A_427, %dma_start3A_428] : memref<200x128xi32, #tpu.memory_space<vmem>> -> memref<1x128xi32, #tpu.memory_space<vmem>>
        %dma_start3A_430 = tpu.memref_squeeze %dma_start3A_429 : memref<1x128xi32, #tpu.memory_space<vmem>> -> memref<128xi32, #tpu.memory_space<vmem>>
        %dma_start3A_431 = arith.constant 0 : i32
        %dma_start3A_432 = arith.constant 0 : i32
        %dma_start3A_433 = tpu.memref_slice %arg2[%dma_start3A_431, %dma_start3A_432] : memref<1001x64xbf16, #tpu.memory_space<hbm>> -> memref<1001x64xbf16, #tpu.memory_space<hbm>>
        tpu.enqueue_indirect_dma source(%dma_start3A_433 : memref<1001x64xbf16, #tpu.memory_space<hbm>>) target(%arg12 : memref<128x64xbf16, #tpu.memory_space<vmem>>) offsets(%dma_start3A_430 : memref<128xi32, #tpu.memory_space<vmem>>) semaphore(%arg23 : memref<!tpu.dma_semaphore, #tpu.memory_space<semaphore_mem>>)
      } else {
      }
      %dma_start3A_393 = arith.constant 0 : i32
      %dma_start3A_394 = tpu.memref_slice %arg8[%add3A_373, %dma_start3A_393] : memref<200x128xi32, #tpu.memory_space<vmem>> -> memref<1x128xi32, #tpu.memory_space<vmem>>
      %dma_start3A_395 = tpu.memref_squeeze %dma_start3A_394 : memref<1x128xi32, #tpu.memory_space<vmem>> -> memref<128xi32, #tpu.memory_space<vmem>>
      %dma_start3A_396 = arith.constant 0 : i32
      %dma_start3A_397 = arith.constant 0 : i32
      %dma_start3A_398 = tpu.memref_slice %arg19[%dma_start3A_396, %dma_start3A_397] : memref<8192x64xbf16, #tpu.memory_space<vmem_shared>> -> memref<8192x64xbf16, #tpu.memory_space<vmem_shared>>
      tpu.enqueue_indirect_dma source(%arg17 : memref<128x64xbf16, #tpu.memory_space<vmem>>) target(%dma_start3A_398 : memref<8192x64xbf16, #tpu.memory_space<vmem_shared>>) offsets(%dma_start3A_395 : memref<128xi32, #tpu.memory_space<vmem>>) semaphore(%arg38 : memref<!tpu.dma_semaphore, #tpu.memory_space<semaphore_mem>>) {add = true}
      %add3A_399 = arith.constant 9 : i32
      %add3A_400 = arith.addi %add3A_159, %add3A_399 : i32
      %dma_wait3A_401 = arith.constant 0 : i32
      %dma_wait3A_402 = arith.constant 0 : i32
      %dma_wait3A_403 = tpu.memref_slice %arg7[%dma_wait3A_401, %dma_wait3A_402] : memref<200x128xi32, #tpu.memory_space<vmem>> -> memref<1x128xi32, #tpu.memory_space<vmem>>
      %dma_wait3A_404 = tpu.memref_squeeze %dma_wait3A_403 : memref<1x128xi32, #tpu.memory_space<vmem>> -> memref<128xi32, #tpu.memory_space<vmem>>
      %dma_wait3A_405 = arith.constant 0 : i32
      %dma_wait3A_406 = arith.constant 0 : i32
      %dma_wait3A_407 = tpu.memref_slice %arg2[%dma_wait3A_405, %dma_wait3A_406] : memref<1001x64xbf16, #tpu.memory_space<hbm>> -> memref<1001x64xbf16, #tpu.memory_space<hbm>>
      tpu.wait_indirect_dma semaphore(%arg29 : memref<!tpu.dma_semaphore, #tpu.memory_space<semaphore_mem>>) src(%dma_wait3A_407 : memref<1001x64xbf16, #tpu.memory_space<hbm>>) dst(%arg18 : memref<128x64xbf16, #tpu.memory_space<vmem>>)
      %ge3A_408 = arith.constant 5 : i32
      %ge3A_409 = arith.cmpi sge, %add3A_400, %ge3A_408 : i32
      %convert_element_type3A_410 = arith.extui %ge3A_409 : i1 to i32
      %cond3A_411 = arith.constant 0 : i32
      %cond3A_412 = arith.cmpi ne, %convert_element_type3A_410, %cond3A_411 : i32
      scf.if %cond3A_412 {
        %dma_wait3A_426 = arith.constant 0 : i32
        %dma_wait3A_427 = arith.constant 0 : i32
        %dma_wait3A_428 = tpu.memref_slice %arg8[%dma_wait3A_426, %dma_wait3A_427] : memref<200x128xi32, #tpu.memory_space<vmem>> -> memref<1x128xi32, #tpu.memory_space<vmem>>
        %dma_wait3A_429 = tpu.memref_squeeze %dma_wait3A_428 : memref<1x128xi32, #tpu.memory_space<vmem>> -> memref<128xi32, #tpu.memory_space<vmem>>
        %dma_wait3A_430 = arith.constant 0 : i32
        %dma_wait3A_431 = arith.constant 0 : i32
        %dma_wait3A_432 = tpu.memref_slice %arg19[%dma_wait3A_430, %dma_wait3A_431] : memref<8192x64xbf16, #tpu.memory_space<vmem_shared>> -> memref<8192x64xbf16, #tpu.memory_space<vmem_shared>>
        tpu.wait_indirect_dma semaphore(%arg34 : memref<!tpu.dma_semaphore, #tpu.memory_space<semaphore_mem>>) src(%arg13 : memref<128x64xbf16, #tpu.memory_space<vmem>>) dst(%dma_wait3A_432 : memref<8192x64xbf16, #tpu.memory_space<vmem_shared>>)
      } else {
      }
      %add3A_413 = arith.constant 5 : i32
      %add3A_414 = arith.addi %add3A_400, %add3A_413 : i32
      %lt3A_415 = arith.constant 200 : i32
      %lt3A_416 = arith.cmpi slt, %add3A_414, %lt3A_415 : i32
      %convert_element_type3A_417 = arith.extui %lt3A_416 : i1 to i32
      %cond3A_418 = arith.constant 0 : i32
      %cond3A_419 = arith.cmpi ne, %convert_element_type3A_417, %cond3A_418 : i32
      scf.if %cond3A_419 {
        %add3A_426 = arith.constant 5 : i32
        %add3A_427 = arith.addi %add3A_400, %add3A_426 : i32
        %dma_start3A_428 = arith.constant 0 : i32
        %dma_start3A_429 = tpu.memref_slice %arg7[%add3A_427, %dma_start3A_428] : memref<200x128xi32, #tpu.memory_space<vmem>> -> memref<1x128xi32, #tpu.memory_space<vmem>>
        %dma_start3A_430 = tpu.memref_squeeze %dma_start3A_429 : memref<1x128xi32, #tpu.memory_space<vmem>> -> memref<128xi32, #tpu.memory_space<vmem>>
        %dma_start3A_431 = arith.constant 0 : i32
        %dma_start3A_432 = arith.constant 0 : i32
        %dma_start3A_433 = tpu.memref_slice %arg2[%dma_start3A_431, %dma_start3A_432] : memref<1001x64xbf16, #tpu.memory_space<hbm>> -> memref<1001x64xbf16, #tpu.memory_space<hbm>>
        tpu.enqueue_indirect_dma source(%dma_start3A_433 : memref<1001x64xbf16, #tpu.memory_space<hbm>>) target(%arg13 : memref<128x64xbf16, #tpu.memory_space<vmem>>) offsets(%dma_start3A_430 : memref<128xi32, #tpu.memory_space<vmem>>) semaphore(%arg24 : memref<!tpu.dma_semaphore, #tpu.memory_space<semaphore_mem>>)
      } else {
      }
      %dma_start3A_420 = arith.constant 0 : i32
      %dma_start3A_421 = tpu.memref_slice %arg8[%add3A_400, %dma_start3A_420] : memref<200x128xi32, #tpu.memory_space<vmem>> -> memref<1x128xi32, #tpu.memory_space<vmem>>
      %dma_start3A_422 = tpu.memref_squeeze %dma_start3A_421 : memref<1x128xi32, #tpu.memory_space<vmem>> -> memref<128xi32, #tpu.memory_space<vmem>>
      %dma_start3A_423 = arith.constant 0 : i32
      %dma_start3A_424 = arith.constant 0 : i32
      %dma_start3A_425 = tpu.memref_slice %arg19[%dma_start3A_423, %dma_start3A_424] : memref<8192x64xbf16, #tpu.memory_space<vmem_shared>> -> memref<8192x64xbf16, #tpu.memory_space<vmem_shared>>
      tpu.enqueue_indirect_dma source(%arg18 : memref<128x64xbf16, #tpu.memory_space<vmem>>) target(%dma_start3A_425 : memref<8192x64xbf16, #tpu.memory_space<vmem_shared>>) offsets(%dma_start3A_422 : memref<128xi32, #tpu.memory_space<vmem>>) semaphore(%arg39 : memref<!tpu.dma_semaphore, #tpu.memory_space<semaphore_mem>>) {add = true}
    }
    %scan3A_66 = arith.constant 20 : i32
    %dma_wait3A = arith.constant 0 : i32
    %dma_wait3A_67 = arith.constant 0 : i32
    %dma_wait3A_68 = tpu.memref_slice %arg8[%dma_wait3A, %dma_wait3A_67] : memref<200x128xi32, #tpu.memory_space<vmem>> -> memref<1x128xi32, #tpu.memory_space<vmem>>
    %dma_wait3A_69 = tpu.memref_squeeze %dma_wait3A_68 : memref<1x128xi32, #tpu.memory_space<vmem>> -> memref<128xi32, #tpu.memory_space<vmem>>
    %dma_wait3A_70 = arith.constant 0 : i32
    %dma_wait3A_71 = arith.constant 0 : i32
    %dma_wait3A_72 = tpu.memref_slice %arg19[%dma_wait3A_70, %dma_wait3A_71] : memref<8192x64xbf16, #tpu.memory_space<vmem_shared>> -> memref<8192x64xbf16, #tpu.memory_space<vmem_shared>>
    tpu.wait_indirect_dma semaphore(%arg35 : memref<!tpu.dma_semaphore, #tpu.memory_space<semaphore_mem>>) src(%arg14 : memref<128x64xbf16, #tpu.memory_space<vmem>>) dst(%dma_wait3A_72 : memref<8192x64xbf16, #tpu.memory_space<vmem_shared>>)
    %dma_wait3A_73 = arith.constant 0 : i32
    %dma_wait3A_74 = arith.constant 0 : i32
    %dma_wait3A_75 = tpu.memref_slice %arg8[%dma_wait3A_73, %dma_wait3A_74] : memref<200x128xi32, #tpu.memory_space<vmem>> -> memref<1x128xi32, #tpu.memory_space<vmem>>
    %dma_wait3A_76 = tpu.memref_squeeze %dma_wait3A_75 : memref<1x128xi32, #tpu.memory_space<vmem>> -> memref<128xi32, #tpu.memory_space<vmem>>
    %dma_wait3A_77 = arith.constant 0 : i32
    %dma_wait3A_78 = arith.constant 0 : i32
    %dma_wait3A_79 = tpu.memref_slice %arg19[%dma_wait3A_77, %dma_wait3A_78] : memref<8192x64xbf16, #tpu.memory_space<vmem_shared>> -> memref<8192x64xbf16, #tpu.memory_space<vmem_shared>>
    tpu.wait_indirect_dma semaphore(%arg36 : memref<!tpu.dma_semaphore, #tpu.memory_space<semaphore_mem>>) src(%arg15 : memref<128x64xbf16, #tpu.memory_space<vmem>>) dst(%dma_wait3A_79 : memref<8192x64xbf16, #tpu.memory_space<vmem_shared>>)
    %dma_wait3A_80 = arith.constant 0 : i32
    %dma_wait3A_81 = arith.constant 0 : i32
    %dma_wait3A_82 = tpu.memref_slice %arg8[%dma_wait3A_80, %dma_wait3A_81] : memref<200x128xi32, #tpu.memory_space<vmem>> -> memref<1x128xi32, #tpu.memory_space<vmem>>
    %dma_wait3A_83 = tpu.memref_squeeze %dma_wait3A_82 : memref<1x128xi32, #tpu.memory_space<vmem>> -> memref<128xi32, #tpu.memory_space<vmem>>
    %dma_wait3A_84 = arith.constant 0 : i32
    %dma_wait3A_85 = arith.constant 0 : i32
    %dma_wait3A_86 = tpu.memref_slice %arg19[%dma_wait3A_84, %dma_wait3A_85] : memref<8192x64xbf16, #tpu.memory_space<vmem_shared>> -> memref<8192x64xbf16, #tpu.memory_space<vmem_shared>>
    tpu.wait_indirect_dma semaphore(%arg37 : memref<!tpu.dma_semaphore, #tpu.memory_space<semaphore_mem>>) src(%arg16 : memref<128x64xbf16, #tpu.memory_space<vmem>>) dst(%dma_wait3A_86 : memref<8192x64xbf16, #tpu.memory_space<vmem_shared>>)
    %dma_wait3A_87 = arith.constant 0 : i32
    %dma_wait3A_88 = arith.constant 0 : i32
    %dma_wait3A_89 = tpu.memref_slice %arg8[%dma_wait3A_87, %dma_wait3A_88] : memref<200x128xi32, #tpu.memory_space<vmem>> -> memref<1x128xi32, #tpu.memory_space<vmem>>
    %dma_wait3A_90 = tpu.memref_squeeze %dma_wait3A_89 : memref<1x128xi32, #tpu.memory_space<vmem>> -> memref<128xi32, #tpu.memory_space<vmem>>
    %dma_wait3A_91 = arith.constant 0 : i32
    %dma_wait3A_92 = arith.constant 0 : i32
    %dma_wait3A_93 = tpu.memref_slice %arg19[%dma_wait3A_91, %dma_wait3A_92] : memref<8192x64xbf16, #tpu.memory_space<vmem_shared>> -> memref<8192x64xbf16, #tpu.memory_space<vmem_shared>>
    tpu.wait_indirect_dma semaphore(%arg38 : memref<!tpu.dma_semaphore, #tpu.memory_space<semaphore_mem>>) src(%arg17 : memref<128x64xbf16, #tpu.memory_space<vmem>>) dst(%dma_wait3A_93 : memref<8192x64xbf16, #tpu.memory_space<vmem_shared>>)
    %dma_wait3A_94 = arith.constant 0 : i32
    %dma_wait3A_95 = arith.constant 0 : i32
    %dma_wait3A_96 = tpu.memref_slice %arg8[%dma_wait3A_94, %dma_wait3A_95] : memref<200x128xi32, #tpu.memory_space<vmem>> -> memref<1x128xi32, #tpu.memory_space<vmem>>
    %dma_wait3A_97 = tpu.memref_squeeze %dma_wait3A_96 : memref<1x128xi32, #tpu.memory_space<vmem>> -> memref<128xi32, #tpu.memory_space<vmem>>
    %dma_wait3A_98 = arith.constant 0 : i32
    %dma_wait3A_99 = arith.constant 0 : i32
    %dma_wait3A_100 = tpu.memref_slice %arg19[%dma_wait3A_98, %dma_wait3A_99] : memref<8192x64xbf16, #tpu.memory_space<vmem_shared>> -> memref<8192x64xbf16, #tpu.memory_space<vmem_shared>>
    tpu.wait_indirect_dma semaphore(%arg39 : memref<!tpu.dma_semaphore, #tpu.memory_space<semaphore_mem>>) src(%arg18 : memref<128x64xbf16, #tpu.memory_space<vmem>>) dst(%dma_wait3A_100 : memref<8192x64xbf16, #tpu.memory_space<vmem_shared>>)
    %broadcast_in_dim3A_101 = arith.constant 0.000000e+00 : f32
    %broadcast_in_dim3A_102 = vector.broadcast %broadcast_in_dim3A_101 : f32 to vector<16xf32>
    %scan3A_103 = arith.constant 0 : i32
    %scan3A_104 = arith.constant 128 : i32
    %scan3A_105 = arith.addi %scan3A_103, %scan3A_104 : i32
    %scan3A_106 = arith.constant 1 : i32
    scf.for %scan3A_155 = %scan3A_103 to %scan3A_105 step %scan3A_106  : i32 {
      %mul3A_156 = arith.constant 1 : i32
      %mul3A_157 = arith.muli %scan3A_155, %mul3A_156 : i32
      %add3A_158 = arith.constant 0 : i32
      %add3A_159 = arith.addi %add3A_158, %mul3A_157 : i32
      %swap3A = arith.index_cast %add3A_159 : i32 to index
      %swap3A_160 = arith.constant 64 : index
      %swap3A_161 = tpu.vector_load %arg6[%swap3A, %swap3A_160] {strides = array<i32>} : memref<128x128xf32, #tpu.memory_space<vmem>>, vector<16xf32>,
      tpu.vector_store %arg6[%swap3A, %swap3A_160], %broadcast_in_dim3A_102 {strides = array<i32>} : memref<128x128xf32, #tpu.memory_space<vmem>>, vector<16xf32>,
      %swap3A_162 = arith.index_cast %add3A_159 : i32 to index
      %swap3A_163 = arith.constant 80 : index
      %swap3A_164 = tpu.vector_load %arg6[%swap3A_162, %swap3A_163] {strides = array<i32>} : memref<128x128xf32, #tpu.memory_space<vmem>>, vector<16xf32>,
      tpu.vector_store %arg6[%swap3A_162, %swap3A_163], %broadcast_in_dim3A_102 {strides = array<i32>} : memref<128x128xf32, #tpu.memory_space<vmem>>, vector<16xf32>,
      %swap3A_165 = arith.index_cast %add3A_159 : i32 to index
      %swap3A_166 = arith.constant 96 : index
      %swap3A_167 = tpu.vector_load %arg6[%swap3A_165, %swap3A_166] {strides = array<i32>} : memref<128x128xf32, #tpu.memory_space<vmem>>, vector<16xf32>,
      tpu.vector_store %arg6[%swap3A_165, %swap3A_166], %broadcast_in_dim3A_102 {strides = array<i32>} : memref<128x128xf32, #tpu.memory_space<vmem>>, vector<16xf32>,
      %swap3A_168 = arith.index_cast %add3A_159 : i32 to index
      %swap3A_169 = arith.constant 112 : index
      %swap3A_170 = tpu.vector_load %arg6[%swap3A_168, %swap3A_169] {strides = array<i32>} : memref<128x128xf32, #tpu.memory_space<vmem>>, vector<16xf32>,
      tpu.vector_store %arg6[%swap3A_168, %swap3A_169], %broadcast_in_dim3A_102 {strides = array<i32>} : memref<128x128xf32, #tpu.memory_space<vmem>>, vector<16xf32>,
    }
    %scan3A_107 = arith.constant 128 : i32
    %iota3A = tpu.iota {dimensions = array<i32: 0>} : vector<16xi32>
    %mul3A_108 = arith.constant 2 : i32
    %mul3A_109 = vector.broadcast %mul3A_108 : i32 to vector<16xi32>
    %mul3A_110 = arith.muli %iota3A, %mul3A_109 : vector<16xi32>
    %mul3A_111 = arith.constant 512 : i32
    %mul3A_112 = arith.muli %arg1, %mul3A_111 : i32
    %add3A_113 = arith.constant 0 : i32
    %add3A_114 = arith.addi %mul3A_112, %add3A_113 : i32
    "tpu.region"() ({
      %run_scoped3A = tpu.sem_alloc : memref<!tpu.dma_semaphore, #tpu.memory_space<semaphore_mem>>
      %dma_start3A_155 = arith.constant 0 : i32
      %dma_start3A_156 = tpu.memref_slice %arg19[%add3A_114, %dma_start3A_155] : memref<8192x64xbf16, #tpu.memory_space<vmem_shared>> -> memref<128x64xbf16, #tpu.memory_space<vmem_shared>>
      %dma_start3A_157 = arith.constant 0 : i32
      %dma_start3A_158 = tpu.memref_slice %arg19[%add3A_114, %dma_start3A_157] : memref<8192x64xbf16, #tpu.memory_space<vmem_shared>> -> memref<128x64xbf16, #tpu.memory_space<vmem_shared>>
      tpu.enqueue_dma source(%dma_start3A_158 : memref<128x64xbf16, #tpu.memory_space<vmem_shared>>) target(%arg9 : memref<128x64xbf16, #tpu.memory_space<vmem>>) target_semaphore(%run_scoped3A : memref<!tpu.dma_semaphore, #tpu.memory_space<semaphore_mem>>)
      %dma_wait3A_159 = arith.constant 0 : i32
      %dma_wait3A_160 = tpu.memref_slice %arg19[%add3A_114, %dma_wait3A_159] : memref<8192x64xbf16, #tpu.memory_space<vmem_shared>> -> memref<128x64xbf16, #tpu.memory_space<vmem_shared>>
      %dma_wait3A_161 = arith.constant 0 : i32
      %dma_wait3A_162 = tpu.memref_slice %arg19[%add3A_114, %dma_wait3A_161] : memref<8192x64xbf16, #tpu.memory_space<vmem_shared>> -> memref<128x64xbf16, #tpu.memory_space<vmem_shared>>
      tpu.wait_dma2 semaphore(%run_scoped3A : memref<!tpu.dma_semaphore, #tpu.memory_space<semaphore_mem>>) src(%dma_wait3A_162 : memref<128x64xbf16, #tpu.memory_space<vmem_shared>>) dst(%arg9 : memref<128x64xbf16, #tpu.memory_space<vmem>>)
      tpu.yield
    }) : () -> ()
    %scan3A_115 = arith.constant 0 : i32
    %scan3A_116 = arith.constant 128 : i32
    %scan3A_117 = arith.addi %scan3A_115, %scan3A_116 : i32
    %scan3A_118 = arith.constant 1 : i32
    scf.for %scan3A_155 = %scan3A_115 to %scan3A_117 step %scan3A_118  : i32 {
      %mul3A_156 = arith.constant 1 : i32
      %mul3A_157 = arith.muli %scan3A_155, %mul3A_156 : i32
      %add3A_158 = arith.constant 0 : i32
      %add3A_159 = arith.addi %add3A_158, %mul3A_157 : i32
      %broadcast_in_dim3A_160 = vector.broadcast %add3A_159 : i32 to vector<16xi32>
      %get3A = arith.index_cast %add3A_159 : i32 to index
      %get3A_161 = arith.constant 0 : index
      %get3A_162 = tpu.vector_load %arg9[%get3A, %get3A_161] {strides = array<i32>} : memref<128x64xbf16, #tpu.memory_space<vmem>>, vector<32xbf16>,
      %bitcast3A = vector.bitcast %get3A_162 : vector<32xbf16> to vector<16xi32>
      %shift_left3A = arith.constant 16 : i32
      %shift_left3A_163 = vector.broadcast %shift_left3A : i32 to vector<16xi32>
      %shift_left3A_164 = arith.shli %bitcast3A, %shift_left3A_163 : vector<16xi32>
      %bitcast3A_165 = vector.bitcast %shift_left3A_164 : vector<16xi32> to vector<16xf32>
      %and3A = arith.constant -65536 : i32
      %and3A_166 = vector.broadcast %and3A : i32 to vector<16xi32>
      %and3A_167 = arith.andi %bitcast3A, %and3A_166 : vector<16xi32>
      %bitcast3A_168 = vector.bitcast %and3A_167 : vector<16xi32> to vector<16xf32>
      %add3A_169 = arith.constant 0 : i32
      %add3A_170 = vector.broadcast %add3A_169 : i32 to vector<16xi32>
      %add3A_171 = arith.addi %mul3A_110, %add3A_170 : vector<16xi32>
      tpu.vector_store_idx %arg6[%broadcast_in_dim3A_160, %add3A_171], %bitcast3A_165 : memref<128x128xf32, #tpu.memory_space<vmem>>[vector<16xi32>, vector<16xi32>], vector<16xf32>,
      %add3A_172 = arith.constant 1 : i32
      %add3A_173 = vector.broadcast %add3A_172 : i32 to vector<16xi32>
      %add3A_174 = arith.addi %add3A_171, %add3A_173 : vector<16xi32>
      tpu.vector_store_idx %arg6[%broadcast_in_dim3A_160, %add3A_174], %bitcast3A_168 : memref<128x128xf32, #tpu.memory_space<vmem>>[vector<16xi32>, vector<16xi32>], vector<16xf32>,
      %get3A_175 = arith.index_cast %add3A_159 : i32 to index
      %get3A_176 = arith.constant 32 : index
      %get3A_177 = tpu.vector_load %arg9[%get3A_175, %get3A_176] {strides = array<i32>} : memref<128x64xbf16, #tpu.memory_space<vmem>>, vector<32xbf16>,
      %bitcast3A_178 = vector.bitcast %get3A_177 : vector<32xbf16> to vector<16xi32>
      %shift_left3A_179 = arith.constant 16 : i32
      %shift_left3A_180 = vector.broadcast %shift_left3A_179 : i32 to vector<16xi32>
      %shift_left3A_181 = arith.shli %bitcast3A_178, %shift_left3A_180 : vector<16xi32>
      %bitcast3A_182 = vector.bitcast %shift_left3A_181 : vector<16xi32> to vector<16xf32>
      %and3A_183 = arith.constant -65536 : i32
      %and3A_184 = vector.broadcast %and3A_183 : i32 to vector<16xi32>
      %and3A_185 = arith.andi %bitcast3A_178, %and3A_184 : vector<16xi32>
      %bitcast3A_186 = vector.bitcast %and3A_185 : vector<16xi32> to vector<16xf32>
      %add3A_187 = arith.constant 32 : i32
      %add3A_188 = vector.broadcast %add3A_187 : i32 to vector<16xi32>
      %add3A_189 = arith.addi %mul3A_110, %add3A_188 : vector<16xi32>
      tpu.vector_store_idx %arg6[%broadcast_in_dim3A_160, %add3A_189], %bitcast3A_182 : memref<128x128xf32, #tpu.memory_space<vmem>>[vector<16xi32>, vector<16xi32>], vector<16xf32>,
      %add3A_190 = arith.constant 1 : i32
      %add3A_191 = vector.broadcast %add3A_190 : i32 to vector<16xi32>
      %add3A_192 = arith.addi %add3A_189, %add3A_191 : vector<16xi32>
      tpu.vector_store_idx %arg6[%broadcast_in_dim3A_160, %add3A_192], %bitcast3A_186 : memref<128x128xf32, #tpu.memory_space<vmem>>[vector<16xi32>, vector<16xi32>], vector<16xf32>,
    }
    %scan3A_119 = arith.constant 128 : i32
    %add3A_120 = arith.constant 0 : i32
    %add3A_121 = arith.addi %mul3A_2, %add3A_120 : i32
    "tpu.region"() ({
      %run_scoped3A = tpu.sem_alloc : memref<!tpu.dma_semaphore, #tpu.memory_space<semaphore_mem>>
      %dma_start3A_155 = arith.constant 0 : i32
      %dma_start3A_156 = tpu.memref_slice %arg5[%add3A_121, %dma_start3A_155] : memref<16384x128xf32, #tpu.memory_space<hbm>> -> memref<128x128xf32, #tpu.memory_space<hbm>>
      %dma_start3A_157 = arith.constant 0 : i32
      %dma_start3A_158 = tpu.memref_slice %arg5[%add3A_121, %dma_start3A_157] : memref<16384x128xf32, #tpu.memory_space<hbm>> -> memref<128x128xf32, #tpu.memory_space<hbm>>
      tpu.enqueue_dma source(%arg6 : memref<128x128xf32, #tpu.memory_space<vmem>>) target(%dma_start3A_158 : memref<128x128xf32, #tpu.memory_space<hbm>>) target_semaphore(%run_scoped3A : memref<!tpu.dma_semaphore, #tpu.memory_space<semaphore_mem>>)
      %dma_wait3A_159 = arith.constant 0 : i32
      %dma_wait3A_160 = tpu.memref_slice %arg5[%add3A_121, %dma_wait3A_159] : memref<16384x128xf32, #tpu.memory_space<hbm>> -> memref<128x128xf32, #tpu.memory_space<hbm>>
      %dma_wait3A_161 = arith.constant 0 : i32
      %dma_wait3A_162 = tpu.memref_slice %arg5[%add3A_121, %dma_wait3A_161] : memref<16384x128xf32, #tpu.memory_space<hbm>> -> memref<128x128xf32, #tpu.memory_space<hbm>>
      tpu.wait_dma2 semaphore(%run_scoped3A : memref<!tpu.dma_semaphore, #tpu.memory_space<semaphore_mem>>) src(%arg6 : memref<128x128xf32, #tpu.memory_space<vmem>>) dst(%dma_wait3A_162 : memref<128x128xf32, #tpu.memory_space<hbm>>)
      tpu.yield
    }) : () -> ()
    %mul3A_122 = arith.constant 512 : i32
    %mul3A_123 = arith.muli %arg1, %mul3A_122 : i32
    %add3A_124 = arith.constant 128 : i32
    %add3A_125 = arith.addi %mul3A_123, %add3A_124 : i32
    "tpu.region"() ({
      %run_scoped3A = tpu.sem_alloc : memref<!tpu.dma_semaphore, #tpu.memory_space<semaphore_mem>>
      %dma_start3A_155 = arith.constant 0 : i32
      %dma_start3A_156 = tpu.memref_slice %arg19[%add3A_125, %dma_start3A_155] : memref<8192x64xbf16, #tpu.memory_space<vmem_shared>> -> memref<128x64xbf16, #tpu.memory_space<vmem_shared>>
      %dma_start3A_157 = arith.constant 0 : i32
      %dma_start3A_158 = tpu.memref_slice %arg19[%add3A_125, %dma_start3A_157] : memref<8192x64xbf16, #tpu.memory_space<vmem_shared>> -> memref<128x64xbf16, #tpu.memory_space<vmem_shared>>
      tpu.enqueue_dma source(%dma_start3A_158 : memref<128x64xbf16, #tpu.memory_space<vmem_shared>>) target(%arg9 : memref<128x64xbf16, #tpu.memory_space<vmem>>) target_semaphore(%run_scoped3A : memref<!tpu.dma_semaphore, #tpu.memory_space<semaphore_mem>>)
      %dma_wait3A_159 = arith.constant 0 : i32
      %dma_wait3A_160 = tpu.memref_slice %arg19[%add3A_125, %dma_wait3A_159] : memref<8192x64xbf16, #tpu.memory_space<vmem_shared>> -> memref<128x64xbf16, #tpu.memory_space<vmem_shared>>
      %dma_wait3A_161 = arith.constant 0 : i32
      %dma_wait3A_162 = tpu.memref_slice %arg19[%add3A_125, %dma_wait3A_161] : memref<8192x64xbf16, #tpu.memory_space<vmem_shared>> -> memref<128x64xbf16, #tpu.memory_space<vmem_shared>>
      tpu.wait_dma2 semaphore(%run_scoped3A : memref<!tpu.dma_semaphore, #tpu.memory_space<semaphore_mem>>) src(%dma_wait3A_162 : memref<128x64xbf16, #tpu.memory_space<vmem_shared>>) dst(%arg9 : memref<128x64xbf16, #tpu.memory_space<vmem>>)
      tpu.yield
    }) : () -> ()
    %scan3A_126 = arith.constant 0 : i32
    %scan3A_127 = arith.constant 128 : i32
    %scan3A_128 = arith.addi %scan3A_126, %scan3A_127 : i32
    %scan3A_129 = arith.constant 1 : i32
    scf.for %scan3A_155 = %scan3A_126 to %scan3A_128 step %scan3A_129  : i32 {
      %mul3A_156 = arith.constant 1 : i32
      %mul3A_157 = arith.muli %scan3A_155, %mul3A_156 : i32
      %add3A_158 = arith.constant 0 : i32
      %add3A_159 = arith.addi %add3A_158, %mul3A_157 : i32
      %broadcast_in_dim3A_160 = vector.broadcast %add3A_159 : i32 to vector<16xi32>
      %get3A = arith.index_cast %add3A_159 : i32 to index
      %get3A_161 = arith.constant 0 : index
      %get3A_162 = tpu.vector_load %arg9[%get3A, %get3A_161] {strides = array<i32>} : memref<128x64xbf16, #tpu.memory_space<vmem>>, vector<32xbf16>,
      %bitcast3A = vector.bitcast %get3A_162 : vector<32xbf16> to vector<16xi32>
      %shift_left3A = arith.constant 16 : i32
      %shift_left3A_163 = vector.broadcast %shift_left3A : i32 to vector<16xi32>
      %shift_left3A_164 = arith.shli %bitcast3A, %shift_left3A_163 : vector<16xi32>
      %bitcast3A_165 = vector.bitcast %shift_left3A_164 : vector<16xi32> to vector<16xf32>
      %and3A = arith.constant -65536 : i32
      %and3A_166 = vector.broadcast %and3A : i32 to vector<16xi32>
      %and3A_167 = arith.andi %bitcast3A, %and3A_166 : vector<16xi32>
      %bitcast3A_168 = vector.bitcast %and3A_167 : vector<16xi32> to vector<16xf32>
      %add3A_169 = arith.constant 0 : i32
      %add3A_170 = vector.broadcast %add3A_169 : i32 to vector<16xi32>
      %add3A_171 = arith.addi %mul3A_110, %add3A_170 : vector<16xi32>
      tpu.vector_store_idx %arg6[%broadcast_in_dim3A_160, %add3A_171], %bitcast3A_165 : memref<128x128xf32, #tpu.memory_space<vmem>>[vector<16xi32>, vector<16xi32>], vector<16xf32>,
      %add3A_172 = arith.constant 1 : i32
      %add3A_173 = vector.broadcast %add3A_172 : i32 to vector<16xi32>
      %add3A_174 = arith.addi %add3A_171, %add3A_173 : vector<16xi32>
      tpu.vector_store_idx %arg6[%broadcast_in_dim3A_160, %add3A_174], %bitcast3A_168 : memref<128x128xf32, #tpu.memory_space<vmem>>[vector<16xi32>, vector<16xi32>], vector<16xf32>,
      %get3A_175 = arith.index_cast %add3A_159 : i32 to index
      %get3A_176 = arith.constant 32 : index
      %get3A_177 = tpu.vector_load %arg9[%get3A_175, %get3A_176] {strides = array<i32>} : memref<128x64xbf16, #tpu.memory_space<vmem>>, vector<32xbf16>,
      %bitcast3A_178 = vector.bitcast %get3A_177 : vector<32xbf16> to vector<16xi32>
      %shift_left3A_179 = arith.constant 16 : i32
      %shift_left3A_180 = vector.broadcast %shift_left3A_179 : i32 to vector<16xi32>
      %shift_left3A_181 = arith.shli %bitcast3A_178, %shift_left3A_180 : vector<16xi32>
      %bitcast3A_182 = vector.bitcast %shift_left3A_181 : vector<16xi32> to vector<16xf32>
      %and3A_183 = arith.constant -65536 : i32
      %and3A_184 = vector.broadcast %and3A_183 : i32 to vector<16xi32>
      %and3A_185 = arith.andi %bitcast3A_178, %and3A_184 : vector<16xi32>
      %bitcast3A_186 = vector.bitcast %and3A_185 : vector<16xi32> to vector<16xf32>
      %add3A_187 = arith.constant 32 : i32
      %add3A_188 = vector.broadcast %add3A_187 : i32 to vector<16xi32>
      %add3A_189 = arith.addi %mul3A_110, %add3A_188 : vector<16xi32>
      tpu.vector_store_idx %arg6[%broadcast_in_dim3A_160, %add3A_189], %bitcast3A_182 : memref<128x128xf32, #tpu.memory_space<vmem>>[vector<16xi32>, vector<16xi32>], vector<16xf32>,
      %add3A_190 = arith.constant 1 : i32
      %add3A_191 = vector.broadcast %add3A_190 : i32 to vector<16xi32>
      %add3A_192 = arith.addi %add3A_189, %add3A_191 : vector<16xi32>
      tpu.vector_store_idx %arg6[%broadcast_in_dim3A_160, %add3A_192], %bitcast3A_186 : memref<128x128xf32, #tpu.memory_space<vmem>>[vector<16xi32>, vector<16xi32>], vector<16xf32>,
    }
    %scan3A_130 = arith.constant 128 : i32
    %add3A_131 = arith.constant 128 : i32
    %add3A_132 = arith.addi %mul3A_2, %add3A_131 : i32
    "tpu.region"() ({
      %run_scoped3A = tpu.sem_alloc : memref<!tpu.dma_semaphore, #tpu.memory_space<semaphore_mem>>
      %dma_start3A_155 = arith.constant 0 : i32
      %dma_start3A_156 = tpu.memref_slice %arg5[%add3A_132, %dma_start3A_155] : memref<16384x128xf32, #tpu.memory_space<hbm>> -> memref<128x128xf32, #tpu.memory_space<hbm>>
      %dma_start3A_157 = arith.constant 0 : i32
      %dma_start3A_158 = tpu.memref_slice %arg5[%add3A_132, %dma_start3A_157] : memref<16384x128xf32, #tpu.memory_space<hbm>> -> memref<128x128xf32, #tpu.memory_space<hbm>>
      tpu.enqueue_dma source(%arg6 : memref<128x128xf32, #tpu.memory_space<vmem>>) target(%dma_start3A_158 : memref<128x128xf32, #tpu.memory_space<hbm>>) target_semaphore(%run_scoped3A : memref<!tpu.dma_semaphore, #tpu.memory_space<semaphore_mem>>)
      %dma_wait3A_159 = arith.constant 0 : i32
      %dma_wait3A_160 = tpu.memref_slice %arg5[%add3A_132, %dma_wait3A_159] : memref<16384x128xf32, #tpu.memory_space<hbm>> -> memref<128x128xf32, #tpu.memory_space<hbm>>
      %dma_wait3A_161 = arith.constant 0 : i32
      %dma_wait3A_162 = tpu.memref_slice %arg5[%add3A_132, %dma_wait3A_161] : memref<16384x128xf32, #tpu.memory_space<hbm>> -> memref<128x128xf32, #tpu.memory_space<hbm>>
      tpu.wait_dma2 semaphore(%run_scoped3A : memref<!tpu.dma_semaphore, #tpu.memory_space<semaphore_mem>>) src(%arg6 : memref<128x128xf32, #tpu.memory_space<vmem>>) dst(%dma_wait3A_162 : memref<128x128xf32, #tpu.memory_space<hbm>>)
      tpu.yield
    }) : () -> ()
    %mul3A_133 = arith.constant 512 : i32
    %mul3A_134 = arith.muli %arg1, %mul3A_133 : i32
    %add3A_135 = arith.constant 256 : i32
    %add3A_136 = arith.addi %mul3A_134, %add3A_135 : i32
    "tpu.region"() ({
      %run_scoped3A = tpu.sem_alloc : memref<!tpu.dma_semaphore, #tpu.memory_space<semaphore_mem>>
      %dma_start3A_155 = arith.constant 0 : i32
      %dma_start3A_156 = tpu.memref_slice %arg19[%add3A_136, %dma_start3A_155] : memref<8192x64xbf16, #tpu.memory_space<vmem_shared>> -> memref<128x64xbf16, #tpu.memory_space<vmem_shared>>
      %dma_start3A_157 = arith.constant 0 : i32
      %dma_start3A_158 = tpu.memref_slice %arg19[%add3A_136, %dma_start3A_157] : memref<8192x64xbf16, #tpu.memory_space<vmem_shared>> -> memref<128x64xbf16, #tpu.memory_space<vmem_shared>>
      tpu.enqueue_dma source(%dma_start3A_158 : memref<128x64xbf16, #tpu.memory_space<vmem_shared>>) target(%arg9 : memref<128x64xbf16, #tpu.memory_space<vmem>>) target_semaphore(%run_scoped3A : memref<!tpu.dma_semaphore, #tpu.memory_space<semaphore_mem>>)
      %dma_wait3A_159 = arith.constant 0 : i32
      %dma_wait3A_160 = tpu.memref_slice %arg19[%add3A_136, %dma_wait3A_159] : memref<8192x64xbf16, #tpu.memory_space<vmem_shared>> -> memref<128x64xbf16, #tpu.memory_space<vmem_shared>>
      %dma_wait3A_161 = arith.constant 0 : i32
      %dma_wait3A_162 = tpu.memref_slice %arg19[%add3A_136, %dma_wait3A_161] : memref<8192x64xbf16, #tpu.memory_space<vmem_shared>> -> memref<128x64xbf16, #tpu.memory_space<vmem_shared>>
      tpu.wait_dma2 semaphore(%run_scoped3A : memref<!tpu.dma_semaphore, #tpu.memory_space<semaphore_mem>>) src(%dma_wait3A_162 : memref<128x64xbf16, #tpu.memory_space<vmem_shared>>) dst(%arg9 : memref<128x64xbf16, #tpu.memory_space<vmem>>)
      tpu.yield
    }) : () -> ()
    %scan3A_137 = arith.constant 0 : i32
    %scan3A_138 = arith.constant 128 : i32
    %scan3A_139 = arith.addi %scan3A_137, %scan3A_138 : i32
    %scan3A_140 = arith.constant 1 : i32
    scf.for %scan3A_155 = %scan3A_137 to %scan3A_139 step %scan3A_140  : i32 {
      %mul3A_156 = arith.constant 1 : i32
      %mul3A_157 = arith.muli %scan3A_155, %mul3A_156 : i32
      %add3A_158 = arith.constant 0 : i32
      %add3A_159 = arith.addi %add3A_158, %mul3A_157 : i32
      %broadcast_in_dim3A_160 = vector.broadcast %add3A_159 : i32 to vector<16xi32>
      %get3A = arith.index_cast %add3A_159 : i32 to index
      %get3A_161 = arith.constant 0 : index
      %get3A_162 = tpu.vector_load %arg9[%get3A, %get3A_161] {strides = array<i32>} : memref<128x64xbf16, #tpu.memory_space<vmem>>, vector<32xbf16>,
      %bitcast3A = vector.bitcast %get3A_162 : vector<32xbf16> to vector<16xi32>
      %shift_left3A = arith.constant 16 : i32
      %shift_left3A_163 = vector.broadcast %shift_left3A : i32 to vector<16xi32>
      %shift_left3A_164 = arith.shli %bitcast3A, %shift_left3A_163 : vector<16xi32>
      %bitcast3A_165 = vector.bitcast %shift_left3A_164 : vector<16xi32> to vector<16xf32>
      %and3A = arith.constant -65536 : i32
      %and3A_166 = vector.broadcast %and3A : i32 to vector<16xi32>
      %and3A_167 = arith.andi %bitcast3A, %and3A_166 : vector<16xi32>
      %bitcast3A_168 = vector.bitcast %and3A_167 : vector<16xi32> to vector<16xf32>
      %add3A_169 = arith.constant 0 : i32
      %add3A_170 = vector.broadcast %add3A_169 : i32 to vector<16xi32>
      %add3A_171 = arith.addi %mul3A_110, %add3A_170 : vector<16xi32>
      tpu.vector_store_idx %arg6[%broadcast_in_dim3A_160, %add3A_171], %bitcast3A_165 : memref<128x128xf32, #tpu.memory_space<vmem>>[vector<16xi32>, vector<16xi32>], vector<16xf32>,
      %add3A_172 = arith.constant 1 : i32
      %add3A_173 = vector.broadcast %add3A_172 : i32 to vector<16xi32>
      %add3A_174 = arith.addi %add3A_171, %add3A_173 : vector<16xi32>
      tpu.vector_store_idx %arg6[%broadcast_in_dim3A_160, %add3A_174], %bitcast3A_168 : memref<128x128xf32, #tpu.memory_space<vmem>>[vector<16xi32>, vector<16xi32>], vector<16xf32>,
      %get3A_175 = arith.index_cast %add3A_159 : i32 to index
      %get3A_176 = arith.constant 32 : index
      %get3A_177 = tpu.vector_load %arg9[%get3A_175, %get3A_176] {strides = array<i32>} : memref<128x64xbf16, #tpu.memory_space<vmem>>, vector<32xbf16>,
      %bitcast3A_178 = vector.bitcast %get3A_177 : vector<32xbf16> to vector<16xi32>
      %shift_left3A_179 = arith.constant 16 : i32
      %shift_left3A_180 = vector.broadcast %shift_left3A_179 : i32 to vector<16xi32>
      %shift_left3A_181 = arith.shli %bitcast3A_178, %shift_left3A_180 : vector<16xi32>
      %bitcast3A_182 = vector.bitcast %shift_left3A_181 : vector<16xi32> to vector<16xf32>
      %and3A_183 = arith.constant -65536 : i32
      %and3A_184 = vector.broadcast %and3A_183 : i32 to vector<16xi32>
      %and3A_185 = arith.andi %bitcast3A_178, %and3A_184 : vector<16xi32>
      %bitcast3A_186 = vector.bitcast %and3A_185 : vector<16xi32> to vector<16xf32>
      %add3A_187 = arith.constant 32 : i32
      %add3A_188 = vector.broadcast %add3A_187 : i32 to vector<16xi32>
      %add3A_189 = arith.addi %mul3A_110, %add3A_188 : vector<16xi32>
      tpu.vector_store_idx %arg6[%broadcast_in_dim3A_160, %add3A_189], %bitcast3A_182 : memref<128x128xf32, #tpu.memory_space<vmem>>[vector<16xi32>, vector<16xi32>], vector<16xf32>,
      %add3A_190 = arith.constant 1 : i32
      %add3A_191 = vector.broadcast %add3A_190 : i32 to vector<16xi32>
      %add3A_192 = arith.addi %add3A_189, %add3A_191 : vector<16xi32>
      tpu.vector_store_idx %arg6[%broadcast_in_dim3A_160, %add3A_192], %bitcast3A_186 : memref<128x128xf32, #tpu.memory_space<vmem>>[vector<16xi32>, vector<16xi32>], vector<16xf32>,
    }
    %scan3A_141 = arith.constant 128 : i32
    %add3A_142 = arith.constant 256 : i32
    %add3A_143 = arith.addi %mul3A_2, %add3A_142 : i32
    "tpu.region"() ({
      %run_scoped3A = tpu.sem_alloc : memref<!tpu.dma_semaphore, #tpu.memory_space<semaphore_mem>>
      %dma_start3A_155 = arith.constant 0 : i32
      %dma_start3A_156 = tpu.memref_slice %arg5[%add3A_143, %dma_start3A_155] : memref<16384x128xf32, #tpu.memory_space<hbm>> -> memref<128x128xf32, #tpu.memory_space<hbm>>
      %dma_start3A_157 = arith.constant 0 : i32
      %dma_start3A_158 = tpu.memref_slice %arg5[%add3A_143, %dma_start3A_157] : memref<16384x128xf32, #tpu.memory_space<hbm>> -> memref<128x128xf32, #tpu.memory_space<hbm>>
      tpu.enqueue_dma source(%arg6 : memref<128x128xf32, #tpu.memory_space<vmem>>) target(%dma_start3A_158 : memref<128x128xf32, #tpu.memory_space<hbm>>) target_semaphore(%run_scoped3A : memref<!tpu.dma_semaphore, #tpu.memory_space<semaphore_mem>>)
      %dma_wait3A_159 = arith.constant 0 : i32
      %dma_wait3A_160 = tpu.memref_slice %arg5[%add3A_143, %dma_wait3A_159] : memref<16384x128xf32, #tpu.memory_space<hbm>> -> memref<128x128xf32, #tpu.memory_space<hbm>>
      %dma_wait3A_161 = arith.constant 0 : i32
      %dma_wait3A_162 = tpu.memref_slice %arg5[%add3A_143, %dma_wait3A_161] : memref<16384x128xf32, #tpu.memory_space<hbm>> -> memref<128x128xf32, #tpu.memory_space<hbm>>
      tpu.wait_dma2 semaphore(%run_scoped3A : memref<!tpu.dma_semaphore, #tpu.memory_space<semaphore_mem>>) src(%arg6 : memref<128x128xf32, #tpu.memory_space<vmem>>) dst(%dma_wait3A_162 : memref<128x128xf32, #tpu.memory_space<hbm>>)
      tpu.yield
    }) : () -> ()
    %mul3A_144 = arith.constant 512 : i32
    %mul3A_145 = arith.muli %arg1, %mul3A_144 : i32
    %add3A_146 = arith.constant 384 : i32
    %add3A_147 = arith.addi %mul3A_145, %add3A_146 : i32
    "tpu.region"() ({
      %run_scoped3A = tpu.sem_alloc : memref<!tpu.dma_semaphore, #tpu.memory_space<semaphore_mem>>
      %dma_start3A_155 = arith.constant 0 : i32
      %dma_start3A_156 = tpu.memref_slice %arg19[%add3A_147, %dma_start3A_155] : memref<8192x64xbf16, #tpu.memory_space<vmem_shared>> -> memref<128x64xbf16, #tpu.memory_space<vmem_shared>>
      %dma_start3A_157 = arith.constant 0 : i32
      %dma_start3A_158 = tpu.memref_slice %arg19[%add3A_147, %dma_start3A_157] : memref<8192x64xbf16, #tpu.memory_space<vmem_shared>> -> memref<128x64xbf16, #tpu.memory_space<vmem_shared>>
      tpu.enqueue_dma source(%dma_start3A_158 : memref<128x64xbf16, #tpu.memory_space<vmem_shared>>) target(%arg9 : memref<128x64xbf16, #tpu.memory_space<vmem>>) target_semaphore(%run_scoped3A : memref<!tpu.dma_semaphore, #tpu.memory_space<semaphore_mem>>)
      %dma_wait3A_159 = arith.constant 0 : i32
      %dma_wait3A_160 = tpu.memref_slice %arg19[%add3A_147, %dma_wait3A_159] : memref<8192x64xbf16, #tpu.memory_space<vmem_shared>> -> memref<128x64xbf16, #tpu.memory_space<vmem_shared>>
      %dma_wait3A_161 = arith.constant 0 : i32
      %dma_wait3A_162 = tpu.memref_slice %arg19[%add3A_147, %dma_wait3A_161] : memref<8192x64xbf16, #tpu.memory_space<vmem_shared>> -> memref<128x64xbf16, #tpu.memory_space<vmem_shared>>
      tpu.wait_dma2 semaphore(%run_scoped3A : memref<!tpu.dma_semaphore, #tpu.memory_space<semaphore_mem>>) src(%dma_wait3A_162 : memref<128x64xbf16, #tpu.memory_space<vmem_shared>>) dst(%arg9 : memref<128x64xbf16, #tpu.memory_space<vmem>>)
      tpu.yield
    }) : () -> ()
    %scan3A_148 = arith.constant 0 : i32
    %scan3A_149 = arith.constant 128 : i32
    %scan3A_150 = arith.addi %scan3A_148, %scan3A_149 : i32
    %scan3A_151 = arith.constant 1 : i32
    scf.for %scan3A_155 = %scan3A_148 to %scan3A_150 step %scan3A_151  : i32 {
      %mul3A_156 = arith.constant 1 : i32
      %mul3A_157 = arith.muli %scan3A_155, %mul3A_156 : i32
      %add3A_158 = arith.constant 0 : i32
      %add3A_159 = arith.addi %add3A_158, %mul3A_157 : i32
      %broadcast_in_dim3A_160 = vector.broadcast %add3A_159 : i32 to vector<16xi32>
      %get3A = arith.index_cast %add3A_159 : i32 to index
      %get3A_161 = arith.constant 0 : index
      %get3A_162 = tpu.vector_load %arg9[%get3A, %get3A_161] {strides = array<i32>} : memref<128x64xbf16, #tpu.memory_space<vmem>>, vector<32xbf16>,
      %bitcast3A = vector.bitcast %get3A_162 : vector<32xbf16> to vector<16xi32>
      %shift_left3A = arith.constant 16 : i32
      %shift_left3A_163 = vector.broadcast %shift_left3A : i32 to vector<16xi32>
      %shift_left3A_164 = arith.shli %bitcast3A, %shift_left3A_163 : vector<16xi32>
      %bitcast3A_165 = vector.bitcast %shift_left3A_164 : vector<16xi32> to vector<16xf32>
      %and3A = arith.constant -65536 : i32
      %and3A_166 = vector.broadcast %and3A : i32 to vector<16xi32>
      %and3A_167 = arith.andi %bitcast3A, %and3A_166 : vector<16xi32>
      %bitcast3A_168 = vector.bitcast %and3A_167 : vector<16xi32> to vector<16xf32>
      %add3A_169 = arith.constant 0 : i32
      %add3A_170 = vector.broadcast %add3A_169 : i32 to vector<16xi32>
      %add3A_171 = arith.addi %mul3A_110, %add3A_170 : vector<16xi32>
      tpu.vector_store_idx %arg6[%broadcast_in_dim3A_160, %add3A_171], %bitcast3A_165 : memref<128x128xf32, #tpu.memory_space<vmem>>[vector<16xi32>, vector<16xi32>], vector<16xf32>,
      %add3A_172 = arith.constant 1 : i32
      %add3A_173 = vector.broadcast %add3A_172 : i32 to vector<16xi32>
      %add3A_174 = arith.addi %add3A_171, %add3A_173 : vector<16xi32>
      tpu.vector_store_idx %arg6[%broadcast_in_dim3A_160, %add3A_174], %bitcast3A_168 : memref<128x128xf32, #tpu.memory_space<vmem>>[vector<16xi32>, vector<16xi32>], vector<16xf32>,
      %get3A_175 = arith.index_cast %add3A_159 : i32 to index
      %get3A_176 = arith.constant 32 : index
      %get3A_177 = tpu.vector_load %arg9[%get3A_175, %get3A_176] {strides = array<i32>} : memref<128x64xbf16, #tpu.memory_space<vmem>>, vector<32xbf16>,
      %bitcast3A_178 = vector.bitcast %get3A_177 : vector<32xbf16> to vector<16xi32>
      %shift_left3A_179 = arith.constant 16 : i32
      %shift_left3A_180 = vector.broadcast %shift_left3A_179 : i32 to vector<16xi32>
      %shift_left3A_181 = arith.shli %bitcast3A_178, %shift_left3A_180 : vector<16xi32>
      %bitcast3A_182 = vector.bitcast %shift_left3A_181 : vector<16xi32> to vector<16xf32>
      %and3A_183 = arith.constant -65536 : i32
      %and3A_184 = vector.broadcast %and3A_183 : i32 to vector<16xi32>
      %and3A_185 = arith.andi %bitcast3A_178, %and3A_184 : vector<16xi32>
      %bitcast3A_186 = vector.bitcast %and3A_185 : vector<16xi32> to vector<16xf32>
      %add3A_187 = arith.constant 32 : i32
      %add3A_188 = vector.broadcast %add3A_187 : i32 to vector<16xi32>
      %add3A_189 = arith.addi %mul3A_110, %add3A_188 : vector<16xi32>
      tpu.vector_store_idx %arg6[%broadcast_in_dim3A_160, %add3A_189], %bitcast3A_182 : memref<128x128xf32, #tpu.memory_space<vmem>>[vector<16xi32>, vector<16xi32>], vector<16xf32>,
      %add3A_190 = arith.constant 1 : i32
      %add3A_191 = vector.broadcast %add3A_190 : i32 to vector<16xi32>
      %add3A_192 = arith.addi %add3A_189, %add3A_191 : vector<16xi32>
      tpu.vector_store_idx %arg6[%broadcast_in_dim3A_160, %add3A_192], %bitcast3A_186 : memref<128x128xf32, #tpu.memory_space<vmem>>[vector<16xi32>, vector<16xi32>], vector<16xf32>,
    }
    %scan3A_152 = arith.constant 128 : i32
    %add3A_153 = arith.constant 384 : i32
    %add3A_154 = arith.addi %mul3A_2, %add3A_153 : i32
    "tpu.region"() ({
      %run_scoped3A = tpu.sem_alloc : memref<!tpu.dma_semaphore, #tpu.memory_space<semaphore_mem>>
      %dma_start3A_155 = arith.constant 0 : i32
      %dma_start3A_156 = tpu.memref_slice %arg5[%add3A_154, %dma_start3A_155] : memref<16384x128xf32, #tpu.memory_space<hbm>> -> memref<128x128xf32, #tpu.memory_space<hbm>>
      %dma_start3A_157 = arith.constant 0 : i32
      %dma_start3A_158 = tpu.memref_slice %arg5[%add3A_154, %dma_start3A_157] : memref<16384x128xf32, #tpu.memory_space<hbm>> -> memref<128x128xf32, #tpu.memory_space<hbm>>
      tpu.enqueue_dma source(%arg6 : memref<128x128xf32, #tpu.memory_space<vmem>>) target(%dma_start3A_158 : memref<128x128xf32, #tpu.memory_space<hbm>>) target_semaphore(%run_scoped3A : memref<!tpu.dma_semaphore, #tpu.memory_space<semaphore_mem>>)
      %dma_wait3A_159 = arith.constant 0 : i32
      %dma_wait3A_160 = tpu.memref_slice %arg5[%add3A_154, %dma_wait3A_159] : memref<16384x128xf32, #tpu.memory_space<hbm>> -> memref<128x128xf32, #tpu.memory_space<hbm>>
      %dma_wait3A_161 = arith.constant 0 : i32
      %dma_wait3A_162 = tpu.memref_slice %arg5[%add3A_154, %dma_wait3A_161] : memref<16384x128xf32, #tpu.memory_space<hbm>> -> memref<128x128xf32, #tpu.memory_space<hbm>>
      tpu.wait_dma2 semaphore(%run_scoped3A : memref<!tpu.dma_semaphore, #tpu.memory_space<semaphore_mem>>) src(%arg6 : memref<128x128xf32, #tpu.memory_space<vmem>>) dst(%dma_wait3A_162 : memref<128x128xf32, #tpu.memory_space<hbm>>)
      tpu.yield
    }) : () -> ()
    return
  }
}

module attributes {stable_mosaic.version = 14 : i64} {
  func.func @body(%arg0: i32, %arg1: memref<2048x128xf32, #tpu.memory_space<vmem>>, %arg2: memref<2048x128xf32, #tpu.memory_space<vmem>>, %arg3: memref<96x128xbf16, #tpu.memory_space<vmem>>, %arg4: memref<96x128xbf16, #tpu.memory_space<vmem>>, %arg5: memref<96x1xf32, #tpu.memory_space<vmem>>, %arg6: memref<1000x96xbf16, #tpu.memory_space<vmem>>, %arg7: memref<1000x1xf32, #tpu.memory_space<vmem>>, %arg8: memref<1000x2048xf32, #tpu.memory_space<vmem>>) attributes {dimension_semantics = [#tpu.dimension_semantics<arbitrary>], iteration_bounds = array<i64: 8>, scalar_prefetch = 0 : i64, scratch_operands = 0 : i64, tpu.core_type = #tpu.core_type<tc>, window_params = [{transform_indices = @transform_0, window_bounds = array<i64: 2048, 128>}, {transform_indices = @transform_1, window_bounds = array<i64: 2048, 128>}, {pipeline_mode = #tpu.pipeline_mode<synchronous>, transform_indices = @transform_2, window_bounds = array<i64: 96, 128>}, {pipeline_mode = #tpu.pipeline_mode<synchronous>, transform_indices = @transform_3, window_bounds = array<i64: 96, 128>}, {pipeline_mode = #tpu.pipeline_mode<synchronous>, transform_indices = @transform_4, window_bounds = array<i64: 96, 1>}, {pipeline_mode = #tpu.pipeline_mode<synchronous>, transform_indices = @transform_5, window_bounds = array<i64: 1000, 96>}, {pipeline_mode = #tpu.pipeline_mode<synchronous>, transform_indices = @transform_6, window_bounds = array<i64: 1000, 1>}, {transform_indices = @transform_7, window_bounds = array<i64: 1000, 2048>}]} {
    %get3A = arith.constant 0 : index
    %get3A_0 = arith.constant 0 : index
    %get3A_1 = vector.load %arg1[%get3A, %get3A_0] : memref<2048x128xf32, #tpu.memory_space<vmem>>, vector<2048x128xf32>
    %convert_element_type3A = arith.truncf %get3A_1 : vector<2048x128xf32> to vector<2048x128xbf16>
    %get3A_2 = arith.constant 0 : index
    %get3A_3 = arith.constant 0 : index
    %get3A_4 = vector.load %arg2[%get3A_2, %get3A_3] : memref<2048x128xf32, #tpu.memory_space<vmem>>, vector<2048x128xf32>
    %convert_element_type3A_5 = arith.truncf %get3A_4 : vector<2048x128xf32> to vector<2048x128xbf16>
    %get3A_6 = arith.constant 0 : index
    %get3A_7 = arith.constant 0 : index
    %get3A_8 = vector.load %arg3[%get3A_6, %get3A_7] : memref<96x128xbf16, #tpu.memory_space<vmem>>, vector<96x128xbf16>
    %dot_general3A = arith.constant dense<0.000000e+00> : vector<96x2048xf32>
    %dot_general3A_9 = tpu.matmul %get3A_8, %convert_element_type3A, %dot_general3A {dimension_numbers = #tpu.dot_dimension_numbers<[1], [1], [0], [0], [0, 0, 1, 0], [], []>, transpose_lhs_hint = false} : vector<96x128xbf16>, vector<2048x128xbf16>, vector<96x2048xf32> -> vector<96x2048xf32>
    %get3A_10 = arith.constant 0 : index
    %get3A_11 = arith.constant 0 : index
    %get3A_12 = vector.load %arg4[%get3A_10, %get3A_11] : memref<96x128xbf16, #tpu.memory_space<vmem>>, vector<96x128xbf16>
    %dot_general3A_13 = arith.constant dense<0.000000e+00> : vector<96x2048xf32>
    %dot_general3A_14 = tpu.matmul %get3A_12, %convert_element_type3A_5, %dot_general3A_13 {dimension_numbers = #tpu.dot_dimension_numbers<[1], [1], [0], [0], [0, 0, 1, 0], [], []>, transpose_lhs_hint = false} : vector<96x128xbf16>, vector<2048x128xbf16>, vector<96x2048xf32> -> vector<96x2048xf32>
    %add3A = arith.addf %dot_general3A_9, %dot_general3A_14 : vector<96x2048xf32>
    %get3A_15 = arith.constant 0 : index
    %get3A_16 = arith.constant 0 : index
    %get3A_17 = vector.load %arg5[%get3A_15, %get3A_16] : memref<96x1xf32, #tpu.memory_space<vmem>>, vector<96x1xf32>
    %add3A_18 = vector.broadcast %get3A_17 : vector<96x1xf32> to vector<96x2048xf32>
    %add3A_19 = arith.addf %add3A, %add3A_18 : vector<96x2048xf32>
    %max3A = arith.constant 0.000000e+00 : f32
    %max3A_20 = vector.broadcast %max3A : f32 to vector<96x2048xf32>
    %max3A_21 = arith.maximumf %add3A_19, %max3A_20 : vector<96x2048xf32>
    %convert_element_type3A_22 = arith.truncf %max3A_21 : vector<96x2048xf32> to vector<96x2048xbf16>
    %get3A_23 = arith.constant 0 : index
    %get3A_24 = arith.constant 0 : index
    %get3A_25 = vector.load %arg6[%get3A_23, %get3A_24] : memref<1000x96xbf16, #tpu.memory_space<vmem>>, vector<1000x96xbf16>
    %dot_general3A_26 = arith.constant dense<0.000000e+00> : vector<1000x2048xf32>
    %dot_general3A_27 = tpu.matmul %get3A_25, %convert_element_type3A_22, %dot_general3A_26 {dimension_numbers = #tpu.dot_dimension_numbers<[1], [0], [0], [1], [0, 0, 1, 1], [], []>, transpose_lhs_hint = false} : vector<1000x96xbf16>, vector<96x2048xbf16>, vector<1000x2048xf32> -> vector<1000x2048xf32>
    %get3A_28 = arith.constant 0 : index
    %get3A_29 = arith.constant 0 : index
    %get3A_30 = vector.load %arg7[%get3A_28, %get3A_29] : memref<1000x1xf32, #tpu.memory_space<vmem>>, vector<1000x1xf32>
    %add3A_31 = vector.broadcast %get3A_30 : vector<1000x1xf32> to vector<1000x2048xf32>
    %add3A_32 = arith.addf %dot_general3A_27, %add3A_31 : vector<1000x2048xf32>
    %mul3A = arith.constant 5.000000e-01 : f32
    %mul3A_33 = vector.broadcast %mul3A : f32 to vector<1000x2048xf32>
    %mul3A_34 = arith.mulf %add3A_32, %mul3A_33 : vector<1000x2048xf32>
    %tanh3A = math.tanh %mul3A_34 : vector<1000x2048xf32>
    %mul3A_35 = arith.constant 5.000000e-01 : f32
    %mul3A_36 = vector.broadcast %mul3A_35 : f32 to vector<1000x2048xf32>
    %mul3A_37 = arith.mulf %mul3A_36, %tanh3A : vector<1000x2048xf32>
    %add3A_38 = arith.constant 5.000000e-01 : f32
    %add3A_39 = vector.broadcast %add3A_38 : f32 to vector<1000x2048xf32>
    %add3A_40 = arith.addf %mul3A_37, %add3A_39 : vector<1000x2048xf32>
    %swap3A = arith.constant 0 : index
    %swap3A_41 = arith.constant 0 : index
    %swap3A_42 = vector.load %arg8[%swap3A, %swap3A_41] : memref<1000x2048xf32, #tpu.memory_space<vmem>>, vector<1000x2048xf32>
    tpu.vector_store %arg8[%swap3A, %swap3A_41], %add3A_40 {strides = array<i32>} : memref<1000x2048xf32, #tpu.memory_space<vmem>>, vector<1000x2048xf32>,
    return
  }
  func.func @transform_0(%arg0: i32) -> (i32, i32) {
    %c0_i32 = arith.constant 0 : i32
    %c0_i32_0 = arith.constant 0 : i32
    return %arg0, %c0_i32 : i32, i32
  }
  func.func @transform_1(%arg0: i32) -> (i32, i32) {
    %c0_i32 = arith.constant 0 : i32
    %c0_i32_0 = arith.constant 0 : i32
    return %arg0, %c0_i32 : i32, i32
  }
  func.func @transform_2(%arg0: i32) -> (i32, i32) {
    %c0_i32 = arith.constant 0 : i32
    %c0_i32_0 = arith.constant 0 : i32
    %c0_i32_1 = arith.constant 0 : i32
    return %c0_i32, %c0_i32_0 : i32, i32
  }
  func.func @transform_3(%arg0: i32) -> (i32, i32) {
    %c0_i32 = arith.constant 0 : i32
    %c0_i32_0 = arith.constant 0 : i32
    %c0_i32_1 = arith.constant 0 : i32
    return %c0_i32, %c0_i32_0 : i32, i32
  }
  func.func @transform_4(%arg0: i32) -> (i32, i32) {
    %c0_i32 = arith.constant 0 : i32
    %c0_i32_0 = arith.constant 0 : i32
    %c0_i32_1 = arith.constant 0 : i32
    return %c0_i32, %c0_i32_0 : i32, i32
  }
  func.func @transform_5(%arg0: i32) -> (i32, i32) {
    %c0_i32 = arith.constant 0 : i32
    %c0_i32_0 = arith.constant 0 : i32
    %c0_i32_1 = arith.constant 0 : i32
    return %c0_i32, %c0_i32_0 : i32, i32
  }
  func.func @transform_6(%arg0: i32) -> (i32, i32) {
    %c0_i32 = arith.constant 0 : i32
    %c0_i32_0 = arith.constant 0 : i32
    %c0_i32_1 = arith.constant 0 : i32
    return %c0_i32, %c0_i32_0 : i32, i32
  }
  func.func @transform_7(%arg0: i32) -> (i32, i32) {
    %c0_i32 = arith.constant 0 : i32
    %c0_i32_0 = arith.constant 0 : i32
    return %c0_i32, %arg0 : i32, i32
  }
}

</mosaic_0001>

<sc_bundles>
// kernel: kernel.5.cloned.1.call-start
scs
__scs_entry_jumppad:
0x0: {  	(pc) =	sbr.rel $0x88, $3  }
0x1: {  	(tag) =	ssettag $0x0;
	lr =	simm.s32 $0x1  }
0x2: {  	[smem:$0x3F99] =	sst lr;
	_ =	strace $0xD0000000  }
0x3: {  	_ = 	snop  }
0x4: {  	_ = 	snop  }
0x5: {  	_ = 	snop  }
0x6: {  	_ = 	snop  }
0x7: {  	_ = 	snop  }
__scs_overlays_trampoline_lowered:
0x8: {  	[smem:$0x3FA8] =	sst s0  }
0x9: {  	[smem:$0x3FA9] =	sst s1  }
0xa: {  	[smem:$0x3FAA] =	sst s2  }
0xb: {  	[smem:$0x3FAB] =	sst s3  }
0xc: {  	[smem:$0x3FAC] =	sst s4  }
0xd: {  	[smem:$0x3FAD] =	sst s5  }
0xe: {  	[smem:$0x3FAE] =	sst s6  }
0xf: {  	[smem:$0x3FAF] =	sst s7  }
0x10: {  	[smem:$0x3FB0] =	sst s8  }
0x11: {  	[smem:$0x3FB1] =	sst s9;
	s0 =	simm.s32 @!p0 $0x0  }
0x12: {  	s1 =	sld [smem:$0x3F97];
	s0 =	simm.s32 @p0 $0x1  }
0x13: {  	[smem:$0x3FB2] =	sst s0;
	s0 =	simm.s32 @!p1 $0x0  }
0x14: {  	s2 =	sld [smem:$0x3F96];
	s0 =	simm.s32 @p1 $0x1  }
0x15: {  	[smem:$0x3FB3] =	sst s0;
	s0 =	simm.s32 @!p2 $0x0  }
0x16: {  	s3 =	sld [smem:$0x3FDB];
	s0 =	simm.s32 @p2 $0x1  }
0x17: {  	s4 =	simm.s32 $0x1BF5;
	[smem:$0x3FB5] =	sst s0  }
0x18: {  	s0 =	sld [smem:$0x3F98];
	_ =	swait.ge [sflag:s4], $0x0  }
0x19: {  	s7 =	sld [smem:$0x3F99]  }
0x1a: {  	s8 =	sadd.s32 $0xFFFFE003, lr  }
0x1b: {  	s9 =	sadd.s32 $0xFFFFFEF7, lr;
	s5 =	simm.s32 $0xFFFFFFFF;
	p2 =	slt.u32 s8, $0xFFFFF086  }
0x1c: {  	p1 =	slt.u32 s9, $0xF7A;
	s5 =	simm.s32 @!p2 $0x0  }
0x1d: {  	s5 =	simm.s32 @p1 $0x1;
	p0 =	seq.s32 s7, s2  }
0x1e: {  	s7 =	smul.u32 @!p0 $0xF7A, s2;
	p2 =	seq.s32 @!p0 s5, $0x0  }
0x1f: {  	s9 =	smul.u32 $0xF7A, s1;
	s8 =	simm.s32 @!p0 $0x1BF5;
	p2 =	por !p2, p0  }
0x20: {  	[sflag:s8] =	ssyncset.s32 @!p0 $0xFFFFF086;
	s6 =	sadd.s32 @!p0 s3, s7;
	s7 =	simm.s32 @!p0 $0x108  }
0x21: {  	s3 =	sadd.s32 s3, s9;
	s6 =	sadd.s32 @!p0 $0x88, s6;
	s7 =	simm.s32 @p2 $0x1082  }
0x22: {  	[simem:s7], [sflag:s8] =	dma.local @!p0 [hbm:s6], $0xF7A  }
0x23: {  	s9 =	sor.u32 $0xD0000000, s2;
	s6 =	simm.s32 $0x108;
	_ =	swait.ge @!p0 [sflag:s8], $0x0  }
0x24: {  	s3 =	sadd.s32 $0x88, s3;
	s6 =	simm.s32 @!p1 $0x1082;
	[sflag:s4] =	ssyncset.s32 $0xFFFFF086  }
0x25: {  	[simem:s6], [sflag:s4] =	dma.local [hbm:s3], $0xF7A  }
0x26: {  	[smem:$0x3F99] =	sst s1;
	(tag) =	ssettag s2;
	_ =	strace s9  }
0x27: {  	s1 =	sld [smem:$0x3FA9]  }
0x28: {  	s2 =	sld [smem:$0x3FAA]  }
0x29: {  	s4 =	sld [smem:$0x3FAC]  }
0x2a: {  	p0 =	seq.s32 s5, $0x0;
	s5 =	sld [smem:$0x3FAD]  }
0x2b: {  	s6 =	sld [smem:$0x3FAE]  }
0x2c: {  	s7 =	sld [smem:$0x3FAF]  }
0x2d: {  	s3 =	simm.s32 $0x108;
	s8 =	sld [smem:$0x3FB0]  }
0x2e: {  	s3 =	simm.s32 @!p0 $0x1082;
	s9 =	sld [smem:$0x3FB1]  }
0x2f: {  	lr =	sadd.s32 s0, s3;
	s0 =	sld [smem:$0x3FA8]  }
0x30: {  	s3 =	sld [smem:$0x3FAB]  }
0x31: {  	[smem:$0x3FB4] =	sst s10  }
0x32: {  	s10 =	sld [smem:$0x3FB2];
	_ =	sdelay $0x3  }
0x33: {  	p0 =	seq.s32 s10, $0x1;
	s10 =	sld [smem:$0x3FB4];
	_ =	sdelay $0x3  }
0x34: {  	[smem:$0x3FB4] =	sst s10  }
0x35: {  	s10 =	sld [smem:$0x3FB3];
	_ =	sdelay $0x3  }
0x36: {  	p1 =	seq.s32 s10, $0x1;
	s10 =	sld [smem:$0x3FB4];
	_ =	sdelay $0x3  }
0x37: {  	[smem:$0x3FB4] =	sst s10  }
0x38: {  	s10 =	sld [smem:$0x3FB5]  }
0x39: {  	_ = 	snop;
	(pc) =	sbr.ind lr, $3  }
0x3a: {  	_ = 	snop  }
0x3b: {  	_ = 	snop  }
0x3c: {  	p2 =	seq.s32 s10, $0x1;
	s10 =	sld [smem:$0x3FB4]  }
0x3d: {  	_ =	shalt  }
0x3e: {  	_ =	shalt  }
0x3f: {  	_ =	shalt  }
0x40: {  	_ =	shalt  }
0x41: {  	_ =	shalt  }
0x42: {  	_ =	shalt  }
0x43: {  	_ =	shalt  }
0x44: {  	_ =	shalt  }
0x45: {  	_ =	shalt  }
0x46: {  	_ =	shalt  }
0x47: {  	_ =	shalt  }
0x48: {  	_ =	shalt  }
0x49: {  	_ =	shalt  }
0x4a: {  	_ =	shalt  }
0x4b: {  	_ =	shalt  }
0x4c: {  	_ =	shalt  }
0x4d: {  	_ =	shalt  }
0x4e: {  	_ =	shalt  }
0x4f: {  	_ =	shalt  }
0x50: {  	_ =	shalt  }
0x51: {  	_ =	shalt  }
0x52: {  	_ =	shalt  }
0x53: {  	_ =	shalt  }
0x54: {  	_ =	shalt  }
0x55: {  	_ =	shalt  }
0x56: {  	_ =	shalt  }
0x57: {  	_ =	shalt  }
0x58: {  	_ =	shalt  }
0x59: {  	_ =	shalt  }
0x5a: {  	_ =	shalt  }
0x5b: {  	_ =	shalt  }
0x5c: {  	_ =	shalt  }
0x5d: {  	_ =	shalt  }
0x5e: {  	_ =	shalt  }
0x5f: {  	_ =	shalt  }
0x60: {  	_ =	shalt  }
0x61: {  	_ =	shalt  }
0x62: {  	_ =	shalt  }
0x63: {  	_ =	shalt  }
0x64: {  	_ =	shalt  }
0x65: {  	_ =	shalt  }
0x66: {  	_ =	shalt  }
0x67: {  	_ =	shalt  }
0x68: {  	_ =	shalt  }
0x69: {  	_ =	shalt  }
0x6a: {  	_ =	shalt  }
0x6b: {  	_ =	shalt  }
0x6c: {  	_ =	shalt  }
0x6d: {  	_ =	shalt  }
0x6e: {  	_ =	shalt  }
0x6f: {  	_ =	shalt  }
0x70: {  	_ =	shalt  }
0x71: {  	_ =	shalt  }
0x72: {  	_ =	shalt  }
0x73: {  	_ =	shalt  }
0x74: {  	_ =	shalt  }
0x75: {  	_ =	shalt  }
0x76: {  	_ =	shalt  }
0x77: {  	_ =	shalt  }
0x78: {  	_ =	shalt  }
0x79: {  	_ =	shalt  }
0x7a: {  	_ =	shalt  }
0x7b: {  	_ =	shalt  }
0x7c: {  	_ =	shalt  }
0x7d: {  	_ =	shalt  }
0x7e: {  	_ =	shalt  }
0x7f: {  	_ =	shalt  }
0x80: {  	_ =	shalt  }
0x81: {  	_ =	shalt  }
0x82: {  	_ =	shalt  }
0x83: {  	_ =	shalt  }
0x84: {  	_ =	shalt  }
0x85: {  	_ =	shalt  }
0x86: {  	_ =	shalt  }
0x87: {  	_ =	shalt  }
.Lfunc_end0:
.L_simem_size_0:
called_computation_lowered:
.L_overlay_start_0:
0x88: {  	s2 =	sld [smem:$0x3FD9]  }
0x89: {  	s3 =	sld [smem:$0x3FFE];
	_ =	sdelay $0x1  }
0x8a: {  	s1 =	srdreg.scid  }
0x8b: {  	s0 =	sand.u32 $0x1, s1  }
0x8c: {  	s18 =	sshll.u32 s0, $0xA;
	s2 =	sadd.s32 s3, s2  }
0x8d: {  	s2 =	sadd.s32 s2, s18  }
0x8e: {  	[smem:$0x3FC0] =	sst s2  }
0x8f: {  	_ = 	snop  }
0x90: {  	s19 =	sld [smem:$0x3FC9]  }
0x91: {  	s5 =	sld [smem:$0x3FC7]  }
0x92: {  	s4 =	sld [smem:$0x3FD0];
	(tm) =	ssettm $0x1  }
0x93: {  	s20 =	sld [smem:$0x3FFB];
	_ =	sdelay $0x3  }
0x94: {  	_ =	strace s20  }
0x95: {  	s2 =	sld [smem:$0x3FFC];
	_ =	sdelay $0x3  }
0x96: {  	_ =	strace s2  }
0x97: {  	s2 =	sld [smem:$0x3FFD];
	_ =	sdelay $0x3  }
0x98: {  	_ =	strace s2  }
0x99: {  	_ =	strace $0x8FFFFFFF  }
0x9a: {  	s21 =	sld [smem:$0x3FDB];
	_ =	sdelay $0x1  }
0x9b: {  	s6 =	simm.s32 $_scs_section_size  }
0x9c: {  	s7 =	simm.s32 $_size__tile_overlayer_lowered;
	s8 =	simm.s32 $_tile_overlayer_lowered  }
0x9d: {  	s9 =	simm.s32 $0x1BFF;
	s22 =	sshll.u32 s8, $0x1;
	s6 =	sadd.s32 s6, s21  }
0x9e: {  	s23 =	simm.s32 $0x0;
	s7 =	sshll.u32 s7, $0x1;
	s8 =	sadd.s32 s22, s6  }
0x9f: {  	[timem:s23], [sflag:s9] =	dma.local [hbm:s8], s7  }
0xa0: {  	_ =	swait.ge [sflag:s9], s7  }
0xa1: {  	s7 =	ssub.s32 $0x0, s7;
	[sflag:s9] =	ssyncset.done $0x0  }
0xa2: {  	[sflag:s9] =	ssyncadd.s32 s7;
	_ =	sdelay $0x1  }
0xa3: {  	s24 =	simm.s32 $0x1B8B  }
0xa4: {  	_ =	swait.ge [sflag:s24], $0x1  }
0xa5: {  	[sflag:s24] =	ssyncset.done $0x0  }
0xa6: {  	[sflag:s24] =	ssyncadd.s32 $0xFFFFFFFF  }
0xa7: {  	s7 =	sld [smem:$0x0]  }
0xa8: {  	s8 =	sand.u32 $0xFFFFFFFE, s1  }
0xa9: {  	p0 =	sne.s32 s1, s8  }
0xaa: {  	s8 =	sshll.u32 @p0 s8, $0xE  }
0xab: {  	s8 =	sadd.s32 @p0 $0x11B8D, s8;
	s9 =	sshll.u32 @p0 s7, $0x11  }
0xac: {  	s8 =	sor.u32 @p0 s9, s8  }
0xad: {  	[sflag:s8] =	ssyncadd.remote.s32 @p0 $0x1;
	_ =	sdelay $0x1  }
0xae: {  	s8 =	simm.s32 @p0 $0x1B8D  }
0xaf: {  	_ =	swait.eq @p0 [sflag:s8], $0x1  }
0xb0: {  	[sflag:s8] =	ssyncadd.s32 @p0 $0xFFFFFFFF  }
0xb1: {  	s9 =	sshll.u32 @!p0 s1, $0xE  }
0xb2: {  	s9 =	sor.u32 @!p0 $0x4000, s9;
	s8 =	simm.s32 @!p0 $0x1B8D  }
0xb3: {  	s7 =	sshll.u32 @!p0 s7, $0x11;
	s9 =	sadd.s32 @!p0 $0x11B8D, s9;
	_ =	swait.eq @!p0 [sflag:s8], $0x1  }
0xb4: {  	s7 =	sor.u32 @!p0 s7, s9;
	[sflag:s8] =	ssyncadd.s32 @!p0 $0xFFFFFFFF  }
0xb5: {  	s25 =	simm.s32 $0x1B8E;
	[sflag:s7] =	ssyncadd.remote.s32 @!p0 $0x1  }
0xb6: {  	s26 =	simm.s32 $execute0_lowered;
	[smem:$0x3FD2] =	sst s25  }
0xb7: {  	s7 =	sshll.u32 s26, $0x1;
	_ =	strace $0x80000049;
	[dreg:$0x1] =	wrdreg $0xFFFFFFFF  }
0xb8: {  	s28 =	simm.s32 $_size_execute0_lowered;
	s6 =	sadd.s32 s6, s7;
	[dreg:$0x0] =	wrdreg $0x0  }
0xb9: {  	s7 =	sshll.u32 s28, $0x1;
	[dreg:$0x2] =	wrdreg s6  }
0xba: {  	[dreg:$0x3] =	wrdreg s7  }
0xbb: {  	[dreg:$0x4] =	wrdreg $0xC0  }
0xbc: {  	_ =	task [dreg:s23], $0x5FFFF  }
0xbd: {  	[dreg:$0x1] =	wrdreg $0xFFFFFFFF  }
0xbe: {  	[dreg:$0x0] =	wrdreg $0x60  }
0xbf: {  	[dreg:$0x2] =	wrdreg s5  }
0xc0: {  	[dreg:$0x3] =	wrdreg s19  }
0xc1: {  	[dreg:$0x4] =	wrdreg s4  }
0xc2: {  	[dreg:$0x5] =	wrdreg $0x9  }
0xc3: {  	_ =	task.clear_ibuf [dreg:s23], $0x6FFFF;
	_ =	strace $0x90000049  }
0xc4: {  	s29 =	simm.s32 $0x9;
	_ =	strace $0x8000004B  }
0xc5: {  	_ =	swait.ge [sflag:s29], $0x1  }
0xc6: {  	[sflag:s29] =	ssyncadd.s32 $0xFFFFFFFF  }
0xc7: {  	_ =	strace $0x9000004B  }
0xc8: {  	_ =	sfence  }
0xc9: {  	s30 =	sld [smem:$0x0];
	_ =	sdelay $0x2  }
0xca: {  	s31 =	sshll.u32 s1, $0xD;
	s1 =	sshrl.u32 s1, $0x2  }
0xcb: {  	s4 =	sand.u32 $0x4000, s31;
	s1 =	sadd.s32 s1, s30  }
0xcc: {  	s0 =	sor.u32 s4, s0;
	s1 =	sshll.u32 s1, $0x11  }
0xcd: {  	s0 =	sor.u32 s1, s0  }
0xce: {  	s0 =	sadd.s32 $0x8F2B, s0  }
0xcf: {  	[sflag:s0] =	ssyncadd.remote.s32 $0x1  }
0xd0: {  	_ =	sfence.sel $0xFFFF  }
0xd1: {  	[dreg:$0x0] =	wrdreg $0xFFFFFFFF;
	(pc) =	sbr.abs _section_cstart, $3  }
0xd2: {  	[dreg:$0x1] =	wrdreg $0xFFFFFFFF  }
0xd3: {  	_ =	task.clear_ibuf [dreg:s23], $0x2FFFF;
	_ =	strace $0x9FFFFFFF  }
0xd4: {  	(tm) =	ssettm $0x7FFFFFFF  }
0xd5: {  	_ =	shalt  }
tec
execute0_lowered:
.L_overlay_start_1:
0x0: {  	(tag) =	ssettag $0x1  }
0x1: {  	s2 =	rddreg [dreg:$0x0];
	s0 =	srdreg.scid  }
0x2: {  	s4 =	rddreg [dreg:$0x1];
	s11 =	sand.u32 $0x1, s0  }
0x3: {  	s13 =	rddreg [dreg:$0x2];
	s1 =	stileid.u32;
	s3 =	sshll.u32 s11, $0x4  }
0x4: {  	s0 =	rddreg [dreg:$0x3];
	s5 =	sshll.u32 s1, $0x6;
	s14 =	sor.u32 s1, s3  }
0x5: {  	s5 =	sand.u32 $0x40, s5;
	s3 =	simm.s32 $0x0;
	s6 =	sshll.u32 s14, $0x6  }
0x6: {  	s4 =	sadd.s32 s4, s5;
	[smem:$0x7FF] =	sst s3;
	s6 =	sand.u32 $0x780, s6  }
0x7: {  	_ =	strace $0x8000004A;
	s5 =	sadd.s32 s6, s4;
	s4 =	simm.s32 $0x1  }
0x8: {  	[tilespmem:s3], [sflag:$0x1] =	stream.linear.gather [hbm4b:s5+s3], $0x200, $0x38;
	[tilespmem:$0x10200] =	vst v63  }
0x9: {  	_ =	swait.ge [sflag:s4], $0x200  }
0xa: {  	[sflag:s4] =	ssyncset.done $0x0  }
0xb: {  	s7 =	simm.s32 $0x200;
	s6 =	simm.s32 $0x80;
	[sflag:s4] =	ssyncadd.s32 $0xFFFFFE00  }
0xc: {  	[tilespmem:s7], [sflag:$0x1] =	stream.indirect.gather [hbm4b:s2+s6], $0x80, s3, s6, $0xb8;
	[tilespmem:$0x10200] =	vst v63  }
0xd: {  	_ =	swait.ge [sflag:s4], $0x4000  }
0xe: {  	[sflag:s4] =	ssyncset.done $0x0  }
0xf: {  	s8 =	simm.s32 $0x4200;
	[sflag:s4] =	ssyncadd.s32 $0xFFFFC000  }
0x10: {  	[tilespmem:s8], [sflag:$0x1] =	stream.indirect.gather [hbm4b:s2+s6], $0x80, s6, s6, $0xb8;
	[tilespmem:$0x10200] =	vst v63  }
0x11: {  	_ =	swait.ge [sflag:s4], $0x4000  }
0x12: {  	s9 =	simm.s32 $0x100;
	[sflag:s4] =	ssyncset.done $0x0  }
0x13: {  	s10 =	simm.s32 $0x8200;
	s15 =	ssub.s32 $0x2, s11;
	[sflag:s4] =	ssyncadd.s32 $0xFFFFC000  }
0x14: {  	[tilespmem:s10], [sflag:$0x1] =	stream.indirect.gather [hbm4b:s2+s6], $0x80, s9, s6, $0xb8;
	[tilespmem:$0x10200] =	vst v63  }
0x15: {  	s16 =	sshrl.u32 s15, $0x1;
	_ =	swait.ge [sflag:s4], $0x4000  }
0x16: {  	s12 =	simm.s32 $0xC200;
	s15 =	ssub.s32 s15, s16;
	[sflag:s4] =	ssyncset.done $0x0  }
0x17: {  	s11 =	simm.s32 $0x180;
	s31 =	smax.u32 s15, $0x1;
	[sflag:s4] =	ssyncadd.s32 $0xFFFFC000  }
0x18: {  	[tilespmem:s12], [sflag:$0x1] =	stream.indirect.gather [hbm4b:s2+s6], $0x80, s11, s6, $0xb8;
	[tilespmem:$0x10200] =	vst v63  }
0x19: {  	p0 =	sne.s32 s31, $0x1;
	_ =	swait.ge [sflag:s4], $0x4000  }
.Ltmp0:
0x1a: {  	s14 =	sshll.u32 s14, $0xD;
	[sflag:s4] =	ssyncset.done $0x0;
	(pc) =	sbr.rel @!p0 .LBB2_2-.Ltmp0, $4  }
0x1b: {  	s13 =	sadd.s32 s13, s14;
	[sflag:s4] =	ssyncadd.s32 $0xFFFFC000  }
0x1c: {  	[hbm4b:s13+s3] =	stream.linear.scatter [tilespmem:s7], [sflag:$0x1], $0x10000, $0x38;
	[tilespmem:$0x10200] =	vst v63  }
0x1d: {  	_ =	swait.ge [sflag:s4], $0x10000  }
0x1e: {  	s14 =	sadd.s32 $0xFFFFFFFF, s31;
	[sflag:s4] =	ssyncset.done $0x0  }
.LBB2_1:
0x1f: {  	p0 =	sne.s32 s14, $0x1;
	s14 =	sadd.s32 $0xFFFFFFFF, s14;
	[sflag:s4] =	ssyncadd.s32 $0xFFFF0000  }
0x20: {  	[tilespmem:s3], [sflag:$0x1] =	stream.linear.gather [hbm4b:s5+s3], $0x200, $0x38;
	[tilespmem:$0x10200] =	vst v63  }
0x21: {  	_ =	swait.ge [sflag:s4], $0x200  }
0x22: {  	[sflag:s4] =	ssyncset.done $0x0  }
0x23: {  	[sflag:s4] =	ssyncadd.s32 $0xFFFFFE00  }
0x24: {  	[tilespmem:s7], [sflag:$0x1] =	stream.indirect.gather [hbm4b:s2+s6], $0x80, s3, s6, $0xb8;
	[tilespmem:$0x10200] =	vst v63  }
0x25: {  	_ =	swait.ge [sflag:s4], $0x4000  }
0x26: {  	[sflag:s4] =	ssyncset.done $0x0  }
0x27: {  	[sflag:s4] =	ssyncadd.s32 $0xFFFFC000  }
0x28: {  	[tilespmem:s8], [sflag:$0x1] =	stream.indirect.gather [hbm4b:s2+s6], $0x80, s6, s6, $0xb8;
	[tilespmem:$0x10200] =	vst v63  }
0x29: {  	_ =	swait.ge [sflag:s4], $0x4000  }
0x2a: {  	[sflag:s4] =	ssyncset.done $0x0  }
0x2b: {  	[sflag:s4] =	ssyncadd.s32 $0xFFFFC000  }
0x2c: {  	[tilespmem:s10], [sflag:$0x1] =	stream.indirect.gather [hbm4b:s2+s6], $0x80, s9, s6, $0xb8;
	[tilespmem:$0x10200] =	vst v63  }
0x2d: {  	_ =	swait.ge [sflag:s4], $0x4000  }
0x2e: {  	[sflag:s4] =	ssyncset.done $0x0  }
0x2f: {  	[sflag:s4] =	ssyncadd.s32 $0xFFFFC000  }
0x30: {  	[tilespmem:s12], [sflag:$0x1] =	stream.indirect.gather [hbm4b:s2+s6], $0x80, s11, s6, $0xb8;
	[tilespmem:$0x10200] =	vst v63  }
0x31: {  	_ =	swait.ge [sflag:s4], $0x4000  }
.Ltmp1:
0x32: {  	[sflag:s4] =	ssyncset.done $0x0;
	(pc) =	sbr.rel @p0 .LBB2_1-.Ltmp1, $4  }
0x33: {  	[sflag:s4] =	ssyncadd.s32 $0xFFFFC000  }
0x34: {  	[hbm4b:s13+s3] =	stream.linear.scatter [tilespmem:s7], [sflag:$0x1], $0x10000, $0x38;
	[tilespmem:$0x10200] =	vst v63  }
0x35: {  	_ =	swait.ge [sflag:s4], $0x10000  }
0x36: {  	[sflag:s4] =	ssyncset.done $0x0  }
.LBB2_2:
0x37: {  	[sflag:s4] =	ssyncadd.s32 $0xFFFF0000  }
0x38: {  	_ =	sfence.sel $0x180000  }
0x39: {  	[bflag:$0x0] =	sbarrier.arrive $0xFFFF  }
0x3a: {  	p0 =	sne.s32 s1, $0x0;
	_ =	strace $0x9000004A  }
0x3b: {  	s0 =	sadd.s32 @!p0 $0x100000, s0;
	[bflag:$0x2] =	sbarrier.arrive $0xFFFF  }
0x3c: {  	[sflag:s0] =	ssyncadd.tile.s32 @!p0 $0x1;
	_ =	shalt  }
.Lfunc_end2:
_tile_overlayer_lowered:
.L_overlay_start_2:
0x3d: {  	(tag) =	ssettag $0x2  }
0x3e: {  	s0 =	rddreg [dreg:$0x0];
	s2 =	stileid.u32  }
0x3f: {  	s1 =	rddreg [dreg:$0x1];
	p0 =	sne.s32 s2, $0x0  }
0x40: {  	s3 =	rddreg [dreg:$0x2];
	[bflag:$0x3] =	sbarrier.arrive $0xFFFF;
	s2 =	simm.s32 @!p0 $0x1C01  }
0x41: {  	[timem:s3], [sflag:s2] =	dma.local @!p0 [hbm:s0], s1  }
0x42: {  	s0 =	simm.s32 @!p0 $0x1  }
0x43: {  	_ =	swait.ge @!p0 [sflag:s0], s1  }
0x44: {  	s1 =	ssub.s32 @!p0 $0x0, s1;
	[sflag:s0] =	ssyncset.done @!p0 $0x0  }
0x45: {  	[sflag:s0] =	ssyncadd.s32 @!p0 s1  }
0x46: {  	[bflag:$0x3] =	sbarrier.arrive $0xFFFF  }
0x47: {  	_ =	shalt  }

// kernel: kernel.8.cloned.1.call-start
scs
__scs_entry_jumppad:
0x0: {  	(pc) =	sbr.rel $0x88, $3  }
0x1: {  	(tag) =	ssettag $0x0;
	lr =	simm.s32 $0x1  }
0x2: {  	[smem:$0x3F99] =	sst lr;
	_ =	strace $0xD0000000  }
0x3: {  	_ = 	snop  }
0x4: {  	_ = 	snop  }
0x5: {  	_ = 	snop  }
0x6: {  	_ = 	snop  }
0x7: {  	_ = 	snop  }
__scs_overlays_trampoline_lowered:
0x8: {  	[smem:$0x3FA8] =	sst s0  }
0x9: {  	[smem:$0x3FA9] =	sst s1  }
0xa: {  	[smem:$0x3FAA] =	sst s2  }
0xb: {  	[smem:$0x3FAB] =	sst s3  }
0xc: {  	[smem:$0x3FAC] =	sst s4  }
0xd: {  	[smem:$0x3FAD] =	sst s5  }
0xe: {  	[smem:$0x3FAE] =	sst s6  }
0xf: {  	[smem:$0x3FAF] =	sst s7  }
0x10: {  	[smem:$0x3FB0] =	sst s8  }
0x11: {  	[smem:$0x3FB1] =	sst s9;
	s0 =	simm.s32 @!p0 $0x0  }
0x12: {  	s1 =	sld [smem:$0x3F97];
	s0 =	simm.s32 @p0 $0x1  }
0x13: {  	[smem:$0x3FB2] =	sst s0;
	s0 =	simm.s32 @!p1 $0x0  }
0x14: {  	s2 =	sld [smem:$0x3F96];
	s0 =	simm.s32 @p1 $0x1  }
0x15: {  	[smem:$0x3FB3] =	sst s0;
	s0 =	simm.s32 @!p2 $0x0  }
0x16: {  	s3 =	sld [smem:$0x3FDB];
	s0 =	simm.s32 @p2 $0x1  }
0x17: {  	s4 =	simm.s32 $0x1BF5;
	[smem:$0x3FB5] =	sst s0  }
0x18: {  	s0 =	sld [smem:$0x3F98];
	_ =	swait.ge [sflag:s4], $0x0  }
0x19: {  	s7 =	sld [smem:$0x3F99]  }
0x1a: {  	s8 =	sadd.s32 $0xFFFFE003, lr  }
0x1b: {  	s9 =	sadd.s32 $0xFFFFFEF7, lr;
	s5 =	simm.s32 $0xFFFFFFFF;
	p2 =	slt.u32 s8, $0xFFFFF086  }
0x1c: {  	p1 =	slt.u32 s9, $0xF7A;
	s5 =	simm.s32 @!p2 $0x0  }
0x1d: {  	s5 =	simm.s32 @p1 $0x1;
	p0 =	seq.s32 s7, s2  }
0x1e: {  	s7 =	smul.u32 @!p0 $0xF7A, s2;
	p2 =	seq.s32 @!p0 s5, $0x0  }
0x1f: {  	s9 =	smul.u32 $0xF7A, s1;
	s8 =	simm.s32 @!p0 $0x1BF5;
	p2 =	por !p2, p0  }
0x20: {  	[sflag:s8] =	ssyncset.s32 @!p0 $0xFFFFF086;
	s6 =	sadd.s32 @!p0 s3, s7;
	s7 =	simm.s32 @!p0 $0x108  }
0x21: {  	s3 =	sadd.s32 s3, s9;
	s6 =	sadd.s32 @!p0 $0x88, s6;
	s7 =	simm.s32 @p2 $0x1082  }
0x22: {  	[simem:s7], [sflag:s8] =	dma.local @!p0 [hbm:s6], $0xF7A  }
0x23: {  	s9 =	sor.u32 $0xD0000000, s2;
	s6 =	simm.s32 $0x108;
	_ =	swait.ge @!p0 [sflag:s8], $0x0  }
0x24: {  	s3 =	sadd.s32 $0x88, s3;
	s6 =	simm.s32 @!p1 $0x1082;
	[sflag:s4] =	ssyncset.s32 $0xFFFFF086  }
0x25: {  	[simem:s6], [sflag:s4] =	dma.local [hbm:s3], $0xF7A  }
0x26: {  	[smem:$0x3F99] =	sst s1;
	(tag) =	ssettag s2;
	_ =	strace s9  }
0x27: {  	s1 =	sld [smem:$0x3FA9]  }
0x28: {  	s2 =	sld [smem:$0x3FAA]  }
0x29: {  	s4 =	sld [smem:$0x3FAC]  }
0x2a: {  	p0 =	seq.s32 s5, $0x0;
	s5 =	sld [smem:$0x3FAD]  }
0x2b: {  	s6 =	sld [smem:$0x3FAE]  }
0x2c: {  	s7 =	sld [smem:$0x3FAF]  }
0x2d: {  	s3 =	simm.s32 $0x108;
	s8 =	sld [smem:$0x3FB0]  }
0x2e: {  	s3 =	simm.s32 @!p0 $0x1082;
	s9 =	sld [smem:$0x3FB1]  }
0x2f: {  	lr =	sadd.s32 s0, s3;
	s0 =	sld [smem:$0x3FA8]  }
0x30: {  	s3 =	sld [smem:$0x3FAB]  }
0x31: {  	[smem:$0x3FB4] =	sst s10  }
0x32: {  	s10 =	sld [smem:$0x3FB2];
	_ =	sdelay $0x3  }
0x33: {  	p0 =	seq.s32 s10, $0x1;
	s10 =	sld [smem:$0x3FB4];
	_ =	sdelay $0x3  }
0x34: {  	[smem:$0x3FB4] =	sst s10  }
0x35: {  	s10 =	sld [smem:$0x3FB3];
	_ =	sdelay $0x3  }
0x36: {  	p1 =	seq.s32 s10, $0x1;
	s10 =	sld [smem:$0x3FB4];
	_ =	sdelay $0x3  }
0x37: {  	[smem:$0x3FB4] =	sst s10  }
0x38: {  	s10 =	sld [smem:$0x3FB5]  }
0x39: {  	_ = 	snop;
	(pc) =	sbr.ind lr, $3  }
0x3a: {  	_ = 	snop  }
0x3b: {  	_ = 	snop  }
0x3c: {  	p2 =	seq.s32 s10, $0x1;
	s10 =	sld [smem:$0x3FB4]  }
0x3d: {  	_ =	shalt  }
0x3e: {  	_ =	shalt  }
0x3f: {  	_ =	shalt  }
0x40: {  	_ =	shalt  }
0x41: {  	_ =	shalt  }
0x42: {  	_ =	shalt  }
0x43: {  	_ =	shalt  }
0x44: {  	_ =	shalt  }
0x45: {  	_ =	shalt  }
0x46: {  	_ =	shalt  }
0x47: {  	_ =	shalt  }
0x48: {  	_ =	shalt  }
0x49: {  	_ =	shalt  }
0x4a: {  	_ =	shalt  }
0x4b: {  	_ =	shalt  }
0x4c: {  	_ =	shalt  }
0x4d: {  	_ =	shalt  }
0x4e: {  	_ =	shalt  }
0x4f: {  	_ =	shalt  }
0x50: {  	_ =	shalt  }
0x51: {  	_ =	shalt  }
0x52: {  	_ =	shalt  }
0x53: {  	_ =	shalt  }
0x54: {  	_ =	shalt  }
0x55: {  	_ =	shalt  }
0x56: {  	_ =	shalt  }
0x57: {  	_ =	shalt  }
0x58: {  	_ =	shalt  }
0x59: {  	_ =	shalt  }
0x5a: {  	_ =	shalt  }
0x5b: {  	_ =	shalt  }
0x5c: {  	_ =	shalt  }
0x5d: {  	_ =	shalt  }
0x5e: {  	_ =	shalt  }
0x5f: {  	_ =	shalt  }
0x60: {  	_ =	shalt  }
0x61: {  	_ =	shalt  }
0x62: {  	_ =	shalt  }
0x63: {  	_ =	shalt  }
0x64: {  	_ =	shalt  }
0x65: {  	_ =	shalt  }
0x66: {  	_ =	shalt  }
0x67: {  	_ =	shalt  }
0x68: {  	_ =	shalt  }
0x69: {  	_ =	shalt  }
0x6a: {  	_ =	shalt  }
0x6b: {  	_ =	shalt  }
0x6c: {  	_ =	shalt  }
0x6d: {  	_ =	shalt  }
0x6e: {  	_ =	shalt  }
0x6f: {  	_ =	shalt  }
0x70: {  	_ =	shalt  }
0x71: {  	_ =	shalt  }
0x72: {  	_ =	shalt  }
0x73: {  	_ =	shalt  }
0x74: {  	_ =	shalt  }
0x75: {  	_ =	shalt  }
0x76: {  	_ =	shalt  }
0x77: {  	_ =	shalt  }
0x78: {  	_ =	shalt  }
0x79: {  	_ =	shalt  }
0x7a: {  	_ =	shalt  }
0x7b: {  	_ =	shalt  }
0x7c: {  	_ =	shalt  }
0x7d: {  	_ =	shalt  }
0x7e: {  	_ =	shalt  }
0x7f: {  	_ =	shalt  }
0x80: {  	_ =	shalt  }
0x81: {  	_ =	shalt  }
0x82: {  	_ =	shalt  }
0x83: {  	_ =	shalt  }
0x84: {  	_ =	shalt  }
0x85: {  	_ =	shalt  }
0x86: {  	_ =	shalt  }
0x87: {  	_ =	shalt  }
.Lfunc_end0:
.L_simem_size_0:
called_computation.1_lowered:
.L_overlay_start_0:
0x88: {  	s2 =	sld [smem:$0x3FD9]  }
0x89: {  	s3 =	sld [smem:$0x3FFE];
	_ =	sdelay $0x1  }
0x8a: {  	s1 =	srdreg.scid  }
0x8b: {  	s0 =	sand.u32 $0x1, s1  }
0x8c: {  	s16 =	sshll.u32 s0, $0xA;
	s2 =	sadd.s32 s3, s2  }
0x8d: {  	s2 =	sadd.s32 s2, s16  }
0x8e: {  	[smem:$0x3FC0] =	sst s2  }
0x8f: {  	_ = 	snop  }
0x90: {  	(tm) =	ssettm $0x1  }
0x91: {  	s17 =	sld [smem:$0x3FFB];
	_ =	sdelay $0x3  }
0x92: {  	_ =	strace s17  }
0x93: {  	s2 =	sld [smem:$0x3FFC];
	_ =	sdelay $0x3  }
0x94: {  	_ =	strace s2  }
0x95: {  	s2 =	sld [smem:$0x3FFD];
	_ =	sdelay $0x3  }
0x96: {  	_ =	strace s2  }
0x97: {  	_ =	strace $0x8FFFFFFF  }
0x98: {  	s18 =	sld [smem:$0x3FDB];
	_ =	sdelay $0x1  }
0x99: {  	s19 =	simm.s32 $_scs_section_size  }
0x9a: {  	s4 =	simm.s32 $_size__tile_overlayer_lowered;
	s5 =	simm.s32 $_tile_overlayer_lowered  }
0x9b: {  	s22 =	simm.s32 $0x1BFF;
	s21 =	sshll.u32 s5, $0x1;
	s2 =	sadd.s32 s19, s18  }
0x9c: {  	s6 =	simm.s32 $0x0;
	s20 =	sshll.u32 s4, $0x1;
	s4 =	sadd.s32 s21, s2  }
0x9d: {  	[timem:s6], [sflag:s22] =	dma.local [hbm:s4], s20  }
0x9e: {  	_ =	swait.ge [sflag:s22], s20  }
0x9f: {  	s3 =	ssub.s32 $0x0, s20;
	[sflag:s22] =	ssyncset.done $0x0  }
0xa0: {  	[sflag:s22] =	ssyncadd.s32 s3;
	_ =	sdelay $0x1  }
0xa1: {  	s23 =	simm.s32 $0x1B8B  }
0xa2: {  	_ =	swait.ge [sflag:s23], $0x1  }
0xa3: {  	[sflag:s23] =	ssyncset.done $0x0  }
0xa4: {  	s25 =	simm.s32 $0x1B8E;
	s24 =	sld [smem:$0x3FFE];
	[sflag:s23] =	ssyncadd.s32 $0xFFFFFFFF  }
0xa5: {  	s26 =	simm.s32 $execute0_lowered;
	[smem:$0x3FD2] =	sst s25  }
0xa6: {  	s4 =	sshll.u32 s26, $0x1;
	_ =	strace $0x80000046;
	[dreg:$0x1] =	wrdreg $0xFFFFFFFF  }
0xa7: {  	s28 =	simm.s32 $_size_execute0_lowered;
	s2 =	sadd.s32 s2, s4;
	[dreg:$0x0] =	wrdreg $0x0  }
0xa8: {  	s4 =	sshll.u32 s28, $0x1;
	[dreg:$0x2] =	wrdreg s2  }
0xa9: {  	[dreg:$0x3] =	wrdreg s4  }
0xaa: {  	[dreg:$0x4] =	wrdreg $0xC0  }
0xab: {  	_ =	task [dreg:s6], $0x5FFFF  }
0xac: {  	[dreg:$0x1] =	wrdreg $0xFFFFFFFF  }
0xad: {  	[dreg:$0x0] =	wrdreg $0x60  }
0xae: {  	[dreg:$0x2] =	wrdreg s24  }
0xaf: {  	[dreg:$0x3] =	wrdreg $0x1A8000  }
0xb0: {  	[dreg:$0x4] =	wrdreg $0xA  }
0xb1: {  	_ =	task.clear_ibuf [dreg:s6], $0x5FFFF;
	_ =	strace $0x90000046  }
0xb2: {  	s29 =	simm.s32 $0xA;
	_ =	strace $0x80000048  }
0xb3: {  	_ =	swait.ge [sflag:s29], $0x1  }
0xb4: {  	[sflag:s29] =	ssyncadd.s32 $0xFFFFFFFF  }
0xb5: {  	_ =	strace $0x90000048  }
0xb6: {  	_ =	sfence  }
0xb7: {  	s30 =	sld [smem:$0x0];
	_ =	sdelay $0x2  }
0xb8: {  	s31 =	sshll.u32 s1, $0xD;
	s1 =	sshrl.u32 s1, $0x2  }
0xb9: {  	s3 =	sand.u32 $0x4000, s31;
	s1 =	sadd.s32 s1, s30  }
0xba: {  	s0 =	sor.u32 s3, s0;
	s1 =	sshll.u32 s1, $0x11  }
0xbb: {  	s0 =	sor.u32 s1, s0  }
0xbc: {  	s0 =	sadd.s32 $0x8F2B, s0  }
0xbd: {  	[sflag:s0] =	ssyncadd.remote.s32 $0x1  }
0xbe: {  	_ =	sfence.sel $0xFFFF  }
0xbf: {  	[dreg:$0x0] =	wrdreg $0xFFFFFFFF;
	(pc) =	sbr.abs _section_cstart, $3  }
0xc0: {  	[dreg:$0x1] =	wrdreg $0xFFFFFFFF  }
0xc1: {  	_ =	task.clear_ibuf [dreg:s6], $0x2FFFF;
	_ =	strace $0x9FFFFFFF  }
0xc2: {  	(tm) =	ssettm $0x7FFFFFFF  }
0xc3: {  	_ =	shalt  }
tec
execute0_lowered:
.L_overlay_start_1:
0x0: {  	(tag) =	ssettag $0x1  }
0x1: {  	s0 =	srdreg.scid;
	s1 =	rddreg [dreg:$0x0]  }
0x2: {  	s2 =	rddreg [dreg:$0x1];
	s8 =	stileid.u32;
	s3 =	simm.s32 $0x0  }
0x3: {  	s17 =	simm.s32 $0x15;
	s19 =	simm.s32 $0x10800;
	s20 =	simm.s32 $0x80  }
0x4: {  	s29 =	simm.s32 $0x14800;
	s30 =	simm.s32 $0x1;
	s18 =	simm.s32 $0x3  }
0x5: {  	s28 =	simm.s32 $0x5;
	s16 =	simm.s32 $0xB;
	s11 =	simm.s32 $0x8  }
0x6: {  	s12 =	simm.s32 $0xD;
	s13 =	simm.s32 $0xA;
	s0 =	sand.u32 $0x1, s0  }
0x7: {  	[smem:$0x7FF] =	sst s3;
	s4 =	sshll.u32 s0, $0x4;
	s0 =	ssub.s32 $0x2, s0  }
0x8: {  	s5 =	sor.u32 s8, s4;
	s7 =	sshrl.u32 s0, $0x1;
	s8 =	sshll.u32 s8, $0xE  }
0x9: {  	_ =	strace $0x80000047;
	s0 =	ssub.s32 s0, s7;
	s15 =	sadd.s32 s8, s2  }
0xa: {  	s6 =	smul.u32 $0xC80, s5;
	s0 =	smax.u32 s0, $0x1;
	[dreg:$0x3] =	wrdreg s15  }
0xb: {  	s4 =	sadd.s32 $0x1A00, s1;
	s21 =	sadd.s32 $0x1000, s15;
	[dreg:$0xd] =	wrdreg s0  }
0xc: {  	s31 =	sadd.s32 $0x3000, s15;
	s6 =	sadd.s32 s6, s1;
	[dreg:$0x6] =	wrdreg s21  }
0xd: {  	s5 =	sshll.u32 s5, $0xD;
	[dreg:$0x8] =	wrdreg s31;
	s22 =	sadd.s32 $0x2A00, s6  }
0xe: {  	s1 =	sadd.s32 s5, s1;
	s23 =	sadd.s32 $0x1BA00, s6;
	[dreg:$0x4] =	wrdreg s22  }
0xf: {  	s14 =	simm.s32 $0xF;
	s24 =	sadd.s32 $0x34A00, s1;
	[dreg:$0x5] =	wrdreg s23  }
0x10: {  	s7 =	simm.s32 $0x6;
	s25 =	sadd.s32 $0x35200, s1;
	[dreg:$0x9] =	wrdreg s24  }
0x11: {  	s8 =	simm.s32 $0x0;
	s26 =	sadd.s32 $0x35A00, s1;
	[dreg:$0xa] =	wrdreg s25  }
0x12: {  	v0 =	vlaneseq.u32;
	s0 =	simm.s32 $0x2;
	s1 =	sadd.s32 $0x36200, s1;
	[dreg:$0xb] =	wrdreg s26  }
0x13: {  	v0 =	vmul.u32 $0x2, v0;
	s6 =	simm.s32 $0x19800;
	s22 =	sadd.s32 $0x2000, s15;
	[dreg:$0xc] =	wrdreg s1  }
0x14: {  	v1 =	vimm.bf16 $0.0e+00;
	v2 =	vimm.f32 $0.0e+00;
	s24 =	simm.s32 $0x12800;
	s26 =	simm.s32 $0x13800;
	s1 =	simm.s32 $0x16800  }
0x15: {  	v3 =	vor.u32 $0x1, v0;
	v4 =	vor.u32 $0x20, v0;
	v5 =	vor.u32 $0x21, v0;
	s23 =	simm.s32 $0x4;
	s25 =	simm.s32 $0x18800;
	[dreg:$0x7] =	wrdreg s22  }
.LBB2_1:
0x16: {  	[dreg:$0xe] =	wrdreg s8  }
0x17: {  	s5 =	rddreg [dreg:$0x4];
	s10 =	simm.s32 $0x4000  }
0x18: {  	[tilespmem:s10], [sflag:$0x15] =	stream.linear.gather [hbm4b:s5+s3], $0x6400, $0x38;
	[tilespmem:$0x1E800] =	vst v63  }
0x19: {  	_ =	swait.ge [sflag:s17], $0x6400  }
0x1a: {  	[sflag:s17] =	ssyncset.done $0x0  }
0x1b: {  	s10 =	simm.s32 $0xA400;
	s9 =	rddreg [dreg:$0x5];
	[sflag:s17] =	ssyncadd.s32 $0xFFFF9C00  }
0x1c: {  	[tilespmem:s10], [sflag:$0x15] =	stream.linear.gather [hbm4b:s9+s3], $0x6400, $0x38;
	[tilespmem:$0x1E800] =	vst v63  }
0x1d: {  	_ =	swait.ge [sflag:s17], $0x6400  }
0x1e: {  	[sflag:s17] =	ssyncset.done $0x0  }
0x1f: {  	s8 =	simm.s32 $0x80;
	s9 =	simm.s32 $0x0;
	[sflag:s17] =	ssyncadd.s32 $0xFFFF9C00  }
.LBB2_2:
0x20: {  	p0 =	sne.s32 s8, $0x3F80;
	[tilespmem:s9+$0x10800] =	vst v1;
	s10 =	smov.u32 s8;
	s8 =	sadd.s32 $0x80, s8  }
.Ltmp0:
0x21: {  	[tilespmem:s9+$0x10810] =	vst v1;
	(pc) =	sbr.rel @p0 .LBB2_2-.Ltmp0, $2  }
0x22: {  	_ =	sdelay $0x2  }
0x23: {  	s9 =	sshra.s32 s10, $0x2  }
0x24: {  	[tilespmem:s9+$0x10800] =	vst v1  }
0x25: {  	[tilespmem:s9+$0x10810] =	vst v1  }
0x26: {  	[spmem:s15] =	stream.linear.scatter [tilespmem:s19], [sflag:$0x15], $0x1000, $0x38;
	[tilespmem:$0x1E800] =	vst v63  }
0x27: {  	_ =	swait.ge [sflag:s17], $0x1000  }
0x28: {  	[sflag:s17] =	ssyncset.done $0x0  }
0x29: {  	[sflag:s17] =	ssyncadd.s32 $0xFFFFF000  }
0x2a: {  	[spmem:s21] =	stream.linear.scatter [tilespmem:s19], [sflag:$0x15], $0x1000, $0x38;
	[tilespmem:$0x1E800] =	vst v63  }
0x2b: {  	_ =	swait.ge [sflag:s17], $0x1000  }
0x2c: {  	[sflag:s17] =	ssyncset.done $0x0  }
0x2d: {  	[sflag:s17] =	ssyncadd.s32 $0xFFFFF000  }
0x2e: {  	[spmem:s22] =	stream.linear.scatter [tilespmem:s19], [sflag:$0x15], $0x1000, $0x38;
	[tilespmem:$0x1E800] =	vst v63  }
0x2f: {  	_ =	swait.ge [sflag:s17], $0x1000  }
0x30: {  	[sflag:s17] =	ssyncset.done $0x0  }
0x31: {  	[sflag:s17] =	ssyncadd.s32 $0xFFFFF000  }
0x32: {  	[spmem:s31] =	stream.linear.scatter [tilespmem:s19], [sflag:$0x15], $0x1000, $0x38;
	[tilespmem:$0x1E800] =	vst v63  }
0x33: {  	_ =	swait.ge [sflag:s17], $0x1000  }
0x34: {  	[sflag:s17] =	ssyncset.done $0x0  }
0x35: {  	s5 =	simm.s32 $0x4000;
	[sflag:s17] =	ssyncadd.s32 $0xFFFFF000  }
0x36: {  	[tilespmem:s19], [sflag:$0x1] =	stream.indirect.gather [hbm4b:s4+s20], $0x20, s5, s20, $0xb8;
	[tilespmem:$0x1E800] =	vst v63  }
0x37: {  	s8 =	simm.s32 $0x11800;
	s15 =	simm.s32 $0x4080  }
0x38: {  	[tilespmem:s8], [sflag:$0x2] =	stream.indirect.gather [hbm4b:s4+s20], $0x20, s15, s20, $0xb8;
	[tilespmem:$0x1E800] =	vst v63  }
0x39: {  	s21 =	simm.s32 $0x4100  }
0x3a: {  	[tilespmem:s24], [sflag:$0x3] =	stream.indirect.gather [hbm4b:s4+s20], $0x20, s21, s20, $0xb8;
	[tilespmem:$0x1E800] =	vst v63  }
0x3b: {  	s22 =	simm.s32 $0x4180  }
0x3c: {  	[tilespmem:s26], [sflag:$0x4] =	stream.indirect.gather [hbm4b:s4+s20], $0x20, s22, s20, $0xb8;
	[tilespmem:$0x1E800] =	vst v63  }
0x3d: {  	s31 =	simm.s32 $0x4200;
	s8 =	simm.s32 $0x0  }
0x3e: {  	[tilespmem:s29], [sflag:$0x5] =	stream.indirect.gather [hbm4b:s4+s20], $0x20, s31, s20, $0xb8;
	[tilespmem:$0x1E800] =	vst v63  }
.LBB2_4:
0x3f: {  	_ =	swait.ge [sflag:s30], $0x1000  }
0x40: {  	p0 =	seq.s32 s8, $0x0;
	[sflag:s30] =	ssyncset.done $0x0  }
0x41: {  	s10 =	simm.s32 @!p0 $0x10;
	[sflag:s30] =	ssyncadd.s32 $0xFFFFF000  }
0x42: {  	_ =	swait.ge @!p0 [sflag:s10], $0x1000  }
0x43: {  	s9 =	sshra.s32 s8, $0x2;
	[sflag:s10] =	ssyncset.done @!p0 $0x0  }
0x44: {  	s5 =	simm.s32 $0x15800;
	s21 =	sadd.s32 $0x4280, s9;
	[sflag:s10] =	ssyncadd.s32 @!p0 $0xFFFFF000  }
0x45: {  	[tilespmem:s5], [sflag:$0x6] =	stream.indirect.gather [hbm4b:s4+s20], $0x20, s21, s20, $0xb8;
	[tilespmem:$0x1E800] =	vst v63  }
0x46: {  	s22 =	sadd.s32 $0xA400, s9  }
0x47: {  	[spmem:s2] =	stream.indirect.scatter.add.bf16 [tilespmem:s19], [sflag:$0xB], $0x20, s22, s20, $0xb8;
	[tilespmem:$0x1E800] =	vst v63  }
0x48: {  	_ =	swait.ge [sflag:s0], $0x1000  }
0x49: {  	[sflag:s0] =	ssyncset.done $0x0  }
0x4a: {  	s10 =	simm.s32 @!p0 $0x11;
	[sflag:s0] =	ssyncadd.s32 $0xFFFFF000  }
0x4b: {  	_ =	swait.ge @!p0 [sflag:s10], $0x1000  }
0x4c: {  	[sflag:s10] =	ssyncset.done @!p0 $0x0  }
0x4d: {  	s31 =	sadd.s32 $0x4300, s9;
	[sflag:s10] =	ssyncadd.s32 @!p0 $0xFFFFF000  }
0x4e: {  	[tilespmem:s1], [sflag:$0x7] =	stream.indirect.gather [hbm4b:s4+s20], $0x20, s31, s20, $0xb8;
	[tilespmem:$0x1E800] =	vst v63  }
0x4f: {  	s15 =	simm.s32 $0x11800;
	s5 =	sadd.s32 $0xA480, s9  }
0x50: {  	[spmem:s2] =	stream.indirect.scatter.add.bf16 [tilespmem:s15], [sflag:$0xC], $0x20, s5, s20, $0xb8;
	[tilespmem:$0x1E800] =	vst v63  }
0x51: {  	_ =	swait.ge [sflag:s18], $0x1000  }
0x52: {  	[sflag:s18] =	ssyncset.done $0x0  }
0x53: {  	s10 =	simm.s32 @!p0 $0x12;
	[sflag:s18] =	ssyncadd.s32 $0xFFFFF000  }
0x54: {  	_ =	swait.ge @!p0 [sflag:s10], $0x1000  }
0x55: {  	[sflag:s10] =	ssyncset.done @!p0 $0x0  }
0x56: {  	s21 =	sadd.s32 $0x4380, s9;
	s22 =	simm.s32 $0x17800;
	[sflag:s10] =	ssyncadd.s32 @!p0 $0xFFFFF000  }
0x57: {  	[tilespmem:s22], [sflag:$0x8] =	stream.indirect.gather [hbm4b:s4+s20], $0x20, s21, s20, $0xb8;
	[tilespmem:$0x1E800] =	vst v63  }
0x58: {  	s31 =	sadd.s32 $0xA500, s9  }
0x59: {  	[spmem:s2] =	stream.indirect.scatter.add.bf16 [tilespmem:s24], [sflag:$0xD], $0x20, s31, s20, $0xb8;
	[tilespmem:$0x1E800] =	vst v63  }
0x5a: {  	_ =	swait.ge [sflag:s23], $0x1000  }
0x5b: {  	[sflag:s23] =	ssyncset.done $0x0  }
0x5c: {  	s10 =	simm.s32 @!p0 $0x13;
	[sflag:s23] =	ssyncadd.s32 $0xFFFFF000  }
0x5d: {  	_ =	swait.ge @!p0 [sflag:s10], $0x1000  }
0x5e: {  	[sflag:s10] =	ssyncset.done @!p0 $0x0  }
0x5f: {  	s5 =	sadd.s32 $0x4400, s9;
	[sflag:s10] =	ssyncadd.s32 @!p0 $0xFFFFF000  }
0x60: {  	[tilespmem:s25], [sflag:$0x9] =	stream.indirect.gather [hbm4b:s4+s20], $0x20, s5, s20, $0xb8;
	[tilespmem:$0x1E800] =	vst v63  }
0x61: {  	s15 =	sadd.s32 $0xA580, s9  }
0x62: {  	[spmem:s2] =	stream.indirect.scatter.add.bf16 [tilespmem:s26], [sflag:$0xE], $0x20, s15, s20, $0xb8;
	[tilespmem:$0x1E800] =	vst v63  }
0x63: {  	_ =	swait.ge [sflag:s28], $0x1000  }
0x64: {  	[sflag:s28] =	ssyncset.done $0x0  }
0x65: {  	s10 =	simm.s32 @!p0 $0x14;
	[sflag:s28] =	ssyncadd.s32 $0xFFFFF000  }
0x66: {  	_ =	swait.ge @!p0 [sflag:s10], $0x1000  }
0x67: {  	[sflag:s10] =	ssyncset.done @!p0 $0x0  }
0x68: {  	s21 =	sadd.s32 $0x4480, s9;
	[sflag:s10] =	ssyncadd.s32 @!p0 $0xFFFFF000  }
0x69: {  	[tilespmem:s6], [sflag:$0xA] =	stream.indirect.gather [hbm4b:s4+s20], $0x20, s21, s20, $0xb8;
	[tilespmem:$0x1E800] =	vst v63  }
0x6a: {  	s22 =	sadd.s32 $0xA600, s9  }
0x6b: {  	[spmem:s2] =	stream.indirect.scatter.add.bf16 [tilespmem:s29], [sflag:$0xF], $0x20, s22, s20, $0xb8;
	[tilespmem:$0x1E800] =	vst v63  }
0x6c: {  	_ =	swait.ge [sflag:s7], $0x1000  }
0x6d: {  	[sflag:s7] =	ssyncset.done $0x0  }
0x6e: {  	[sflag:s7] =	ssyncadd.s32 $0xFFFFF000  }
0x6f: {  	p0 =	seq.s32 s8, $0x17C00;
	_ =	swait.ge [sflag:s16], $0x1000  }
0x70: {  	s10 =	sshra.s32 @p0 s8, $0x2;
	s15 =	simm.s32 @p0 $0x80;
	[sflag:s16] =	ssyncset.done $0x0  }
0x71: {  	s31 =	simm.s32 @p0 $0x15800;
	s5 =	sadd.s32 @p0 $0xA680, s10;
	[sflag:s16] =	ssyncadd.s32 $0xFFFFF000  }
0x72: {  	[spmem:s2] =	stream.indirect.scatter.add.bf16 @p0 [tilespmem:s31], [sflag:$0x10], $0x20, s5, s15, $0xb8;
	[tilespmem:$0x1E800] =	vst v63  }
0x73: {  	s5 =	simm.s32 @p0 $0x7  }
0x74: {  	_ =	swait.ge @p0 [sflag:s5], $0x1000  }
0x75: {  	[sflag:s5] =	ssyncset.done @p0 $0x0  }
0x76: {  	[sflag:s5] =	ssyncadd.s32 @p0 $0xFFFFF000;
	s5 =	simm.s32 @p0 $0xC  }
0x77: {  	_ =	swait.ge @p0 [sflag:s5], $0x1000  }
0x78: {  	[sflag:s5] =	ssyncset.done @p0 $0x0  }
0x79: {  	[sflag:s5] =	ssyncadd.s32 @p0 $0xFFFFF000;
	s5 =	sshra.s32 @!p0 s8, $0x2  }
0x7a: {  	s21 =	simm.s32 @!p0 $0x80;
	s22 =	simm.s32 @!p0 $0x10800;
	s31 =	sadd.s32 @!p0 $0x4500, s5  }
0x7b: {  	[tilespmem:s22], [sflag:$0x1] =	stream.indirect.gather @!p0 [hbm4b:s4+s21], $0x20, s31, s21, $0xb8;
	[tilespmem:$0x1E800] =	vst v63  }
0x7c: {  	s22 =	sadd.s32 @!p0 $0xA680, s5;
	s31 =	simm.s32 @!p0 $0x15800  }
0x7d: {  	[spmem:s2] =	stream.indirect.scatter.add.bf16 @!p0 [tilespmem:s31], [sflag:$0x10], $0x20, s22, s21, $0xb8;
	[tilespmem:$0x1E800] =	vst v63  }
0x7e: {  	s22 =	simm.s32 @!p0 $0x7  }
0x7f: {  	_ =	swait.ge @!p0 [sflag:s22], $0x1000  }
0x80: {  	[sflag:s22] =	ssyncset.done @!p0 $0x0  }
0x81: {  	[sflag:s22] =	ssyncadd.s32 @!p0 $0xFFFFF000;
	s22 =	simm.s32 @!p0 $0xC  }
0x82: {  	_ =	swait.ge @!p0 [sflag:s22], $0x1000  }
0x83: {  	[sflag:s22] =	ssyncset.done @!p0 $0x0  }
0x84: {  	s31 =	simm.s32 @!p0 $0x11800;
	[sflag:s22] =	ssyncadd.s32 @!p0 $0xFFFFF000;
	s22 =	sadd.s32 @!p0 $0x4580, s5  }
0x85: {  	[tilespmem:s31], [sflag:$0x2] =	stream.indirect.gather @!p0 [hbm4b:s4+s21], $0x20, s22, s21, $0xb8;
	[tilespmem:$0x1E800] =	vst v63  }
0x86: {  	s31 =	sadd.s32 $0xA700, s9  }
0x87: {  	[spmem:s2] =	stream.indirect.scatter.add.bf16 [tilespmem:s1], [sflag:$0x11], $0x20, s31, s20, $0xb8;
	[tilespmem:$0x1E800] =	vst v63  }
0x88: {  	_ =	swait.ge [sflag:s11], $0x1000  }
0x89: {  	[sflag:s11] =	ssyncset.done $0x0  }
0x8a: {  	[sflag:s11] =	ssyncadd.s32 $0xFFFFF000  }
0x8b: {  	_ =	swait.ge [sflag:s12], $0x1000  }
0x8c: {  	[sflag:s12] =	ssyncset.done $0x0  }
0x8d: {  	s10 =	sadd.s32 @p0 $0xA780, s10;
	s22 =	simm.s32 @p0 $0x17800;
	[sflag:s12] =	ssyncadd.s32 $0xFFFFF000  }
0x8e: {  	[spmem:s2] =	stream.indirect.scatter.add.bf16 @p0 [tilespmem:s22], [sflag:$0x12], $0x20, s10, s15, $0xb8;
	[tilespmem:$0x1E800] =	vst v63  }
0x8f: {  	s10 =	simm.s32 @p0 $0x9  }
0x90: {  	_ =	swait.ge @p0 [sflag:s10], $0x1000  }
0x91: {  	[sflag:s10] =	ssyncset.done @p0 $0x0  }
0x92: {  	[sflag:s10] =	ssyncadd.s32 @p0 $0xFFFFF000;
	s10 =	simm.s32 @p0 $0xE  }
0x93: {  	_ =	swait.ge @p0 [sflag:s10], $0x1000  }
0x94: {  	[sflag:s10] =	ssyncset.done @p0 $0x0  }
0x95: {  	s15 =	simm.s32 @!p0 $0x12800;
	[sflag:s10] =	ssyncadd.s32 @p0 $0xFFFFF000;
	s10 =	sadd.s32 @!p0 $0x4600, s5  }
0x96: {  	[tilespmem:s15], [sflag:$0x3] =	stream.indirect.gather @!p0 [hbm4b:s4+s21], $0x20, s10, s21, $0xb8;
	[tilespmem:$0x1E800] =	vst v63  }
0x97: {  	s10 =	sadd.s32 @!p0 $0xA780, s5;
	s15 =	simm.s32 @!p0 $0x17800  }
0x98: {  	[spmem:s2] =	stream.indirect.scatter.add.bf16 @!p0 [tilespmem:s15], [sflag:$0x12], $0x20, s10, s21, $0xb8;
	[tilespmem:$0x1E800] =	vst v63  }
0x99: {  	s10 =	simm.s32 @!p0 $0x9  }
0x9a: {  	_ =	swait.ge @!p0 [sflag:s10], $0x1000  }
0x9b: {  	[sflag:s10] =	ssyncset.done @!p0 $0x0  }
0x9c: {  	[sflag:s10] =	ssyncadd.s32 @!p0 $0xFFFFF000;
	s10 =	simm.s32 @!p0 $0xE  }
0x9d: {  	_ =	swait.ge @!p0 [sflag:s10], $0x1000  }
0x9e: {  	[sflag:s10] =	ssyncset.done @!p0 $0x0  }
0x9f: {  	s5 =	sadd.s32 @!p0 $0x4680, s5;
	[sflag:s10] =	ssyncadd.s32 @!p0 $0xFFFFF000;
	s10 =	simm.s32 @!p0 $0x13800  }
0xa0: {  	[tilespmem:s10], [sflag:$0x4] =	stream.indirect.gather @!p0 [hbm4b:s4+s21], $0x20, s5, s21, $0xb8;
	[tilespmem:$0x1E800] =	vst v63  }
0xa1: {  	s31 =	sadd.s32 $0xA800, s9  }
0xa2: {  	[spmem:s2] =	stream.indirect.scatter.add.bf16 [tilespmem:s25], [sflag:$0x13], $0x20, s31, s20, $0xb8;
	[tilespmem:$0x1E800] =	vst v63  }
0xa3: {  	_ =	swait.ge [sflag:s13], $0x1000  }
.Ltmp1:
0xa4: {  	[sflag:s13] =	ssyncset.done $0x0;
	(pc) =	sbr.rel @p0 .LBB2_6-.Ltmp1, $4  }
0xa5: {  	[sflag:s13] =	ssyncadd.s32 $0xFFFFF000  }
0xa6: {  	_ =	swait.ge [sflag:s14], $0x1000  }
0xa7: {  	[sflag:s14] =	ssyncset.done $0x0  }
0xa8: {  	s10 =	sadd.s32 $0xA880, s9;
	[sflag:s14] =	ssyncadd.s32 $0xFFFFF000  }
.Ltmp2:
0xa9: {  	(pc) =	sbr.rel .LBB2_4-.Ltmp2, $4  }
0xaa: {  	s5 =	sadd.s32 $0x4700, s9  }
0xab: {  	[tilespmem:s29], [sflag:$0x5] =	stream.indirect.gather [hbm4b:s4+s20], $0x20, s5, s20, $0xb8;
	[tilespmem:$0x1E800] =	vst v63  }
0xac: {  	s8 =	sadd.s32 $0x1400, s8  }
0xad: {  	[spmem:s2] =	stream.indirect.scatter.add.bf16 [tilespmem:s6], [sflag:$0x14], $0x20, s10, s20, $0xb8;
	[tilespmem:$0x1E800] =	vst v63  }
.LBB2_6:
0xae: {  	[spmem:s2] =	stream.indirect.scatter.add.bf16 [tilespmem:s6], [sflag:$0x14], $0x20, s10, s20, $0xb8;
	[tilespmem:$0x1E800] =	vst v63  }
0xaf: {  	s5 =	simm.s32 $0x10  }
0xb0: {  	_ =	swait.ge [sflag:s5], $0x1000  }
0xb1: {  	[sflag:s5] =	ssyncset.done $0x0  }
0xb2: {  	s15 =	simm.s32 $0x11;
	[sflag:s5] =	ssyncadd.s32 $0xFFFFF000  }
0xb3: {  	_ =	swait.ge [sflag:s15], $0x1000  }
0xb4: {  	[sflag:s15] =	ssyncset.done $0x0  }
0xb5: {  	s21 =	simm.s32 $0x12;
	[sflag:s15] =	ssyncadd.s32 $0xFFFFF000  }
0xb6: {  	_ =	swait.ge [sflag:s21], $0x1000  }
0xb7: {  	[sflag:s21] =	ssyncset.done $0x0  }
0xb8: {  	s22 =	simm.s32 $0x13;
	[sflag:s21] =	ssyncadd.s32 $0xFFFFF000  }
0xb9: {  	_ =	swait.ge [sflag:s22], $0x1000  }
0xba: {  	[sflag:s22] =	ssyncset.done $0x0  }
0xbb: {  	s31 =	simm.s32 $0x14;
	[sflag:s22] =	ssyncadd.s32 $0xFFFFF000  }
0xbc: {  	_ =	swait.ge [sflag:s31], $0x1000  }
0xbd: {  	s9 =	simm.s32 $0xFFFF0200;
	[sflag:s31] =	ssyncset.done $0x0  }
0xbe: {  	s8 =	simm.s32 $0xFFFFC000;
	s15 =	rddreg [dreg:$0x3];
	[sflag:s31] =	ssyncadd.s32 $0xFFFFF000  }
.LBB2_7:
0xbf: {  	p0 =	sne.s32 s9, $0xFFFFFE00;
	[tilespmem:s8+$0x4070] =	vst v2;
	s5 =	smov.u32 s9;
	s9 =	sadd.s32 $0x200, s9  }
.Ltmp3:
0xc0: {  	[tilespmem:s8+$0x4060] =	vst v2;
	(pc) =	sbr.rel @p0 .LBB2_7-.Ltmp3, $3  }
0xc1: {  	[tilespmem:s8+$0x4040] =	vst v2  }
0xc2: {  	[tilespmem:s8+$0x4050] =	vst v2;
	_ =	sdelay $0x1  }
0xc3: {  	s8 =	sshra.s32 s5, $0x2  }
0xc4: {  	[tilespmem:s8+$0x4070] =	vst v2  }
0xc5: {  	[tilespmem:s8+$0x4060] =	vst v2  }
0xc6: {  	[tilespmem:s8+$0x4040] =	vst v2  }
0xc7: {  	[tilespmem:s8+$0x4050] =	vst v2  }
0xc8: {  	[tilespmem:s19], [sflag:$0x15] =	stream.linear.gather [spmem:s15], $0x1000, $0x38;
	[tilespmem:$0x1E800] =	vst v63  }
0xc9: {  	_ =	swait.ge [sflag:s17], $0x1000  }
0xca: {  	[sflag:s17] =	ssyncset.done $0x0  }
0xcb: {  	s8 =	simm.s32 $0x10810;
	[sflag:s17] =	ssyncadd.s32 $0xFFFFF000  }
0xcc: {  	s5 =	simm.s32 $0x0;
	v6 =	vld [tilespmem:s8+$0xFFFFFFF0]  }
0xcd: {  	v7 =	vor.u32 s5, v0  }
0xce: {  	v8 =	vor.u32 s5, v3;
	_ =	sdelay $0x2  }
0xcf: {  	v9 =	vshll.u32 v6, $0x10  }
0xd0: {  	v6 =	vand.u32 $0xFFFF0000, v6;
	[tilespmem:v7+s3+$0x0] =	vst.idx.msk $0xffff, v9  }
0xd1: {  	[tilespmem:v8+s3+$0x0] =	vst.idx.msk $0xffff, v6  }
0xd2: {  	v7 =	vld [tilespmem:s8+$0x0]  }
0xd3: {  	v8 =	vor.u32 s5, v4;
	_ =	sdelay $0x1  }
0xd4: {  	v6 =	vor.u32 s5, v5  }
0xd5: {  	s21 =	rddreg [dreg:$0x6]  }
0xd6: {  	s22 =	rddreg [dreg:$0x7];
	v63 =	vshll.u32 v7, $0x10  }
0xd7: {  	s9 =	simm.s32 $0x1;
	s31 =	rddreg [dreg:$0x8];
	v7 =	vand.u32 $0xFFFF0000, v7;
	[tilespmem:v8+s3+$0x0] =	vst.idx.msk $0xffff, v63  }
.LBB2_9:
0xd8: {  	p0 =	sne.s32 s9, $0x7F  }
0xd9: {  	[tilespmem:v6+s3+$0x0] =	vst.idx.msk $0xffff, v7;
	s8 =	sadd.s32 $0x20, s8;
	s5 =	smov.u32 s9;
	s9 =	sadd.s32 $0x1, s9  }
0xda: {  	v6 =	vld [tilespmem:s8+$0xFFFFFFF0];
	s5 =	sshll.u32 s5, $0x7  }
0xdb: {  	v7 =	vor.u32 s5, v0  }
0xdc: {  	v8 =	vor.u32 s5, v3;
	_ =	sdelay $0x2  }
0xdd: {  	v9 =	vshll.u32 v6, $0x10  }
0xde: {  	v6 =	vand.u32 $0xFFFF0000, v6;
	[tilespmem:v7+s3+$0x0] =	vst.idx.msk $0xffff, v9  }
0xdf: {  	[tilespmem:v8+s3+$0x0] =	vst.idx.msk $0xffff, v6  }
0xe0: {  	v7 =	vld [tilespmem:s8+$0x0]  }
0xe1: {  	v8 =	vor.u32 s5, v4  }
.Ltmp4:
0xe2: {  	v6 =	vor.u32 s5, v5;
	(pc) =	sbr.rel @p0 .LBB2_9-.Ltmp4, $3  }
0xe3: {  	_ =	sdelay $0x1  }
0xe4: {  	v9 =	vshll.u32 v7, $0x10  }
0xe5: {  	v7 =	vand.u32 $0xFFFF0000, v7;
	[tilespmem:v8+s3+$0x0] =	vst.idx.msk $0xffff, v9  }
0xe6: {  	_ =	sdelay $0x3  }
0xe7: {  	[tilespmem:v6+s3+$0x0] =	vst.idx.msk $0xffff, v7;
	s5 =	simm.s32 $0x0;
	s8 =	rddreg [dreg:$0x9]  }
0xe8: {  	[hbm4b:s8+s5] =	stream.linear.scatter [tilespmem:s5], [sflag:$0x15], $0x4000, $0x38;
	[tilespmem:$0x1E800] =	vst v63  }
0xe9: {  	_ =	swait.ge [sflag:s17], $0x4000  }
0xea: {  	[sflag:s17] =	ssyncset.done $0x0  }
0xeb: {  	[sflag:s17] =	ssyncadd.s32 $0xFFFFC000  }
0xec: {  	[tilespmem:s19], [sflag:$0x15] =	stream.linear.gather [spmem:s21], $0x1000, $0x38;
	[tilespmem:$0x1E800] =	vst v63  }
0xed: {  	_ =	swait.ge [sflag:s17], $0x1000  }
0xee: {  	[sflag:s17] =	ssyncset.done $0x0  }
0xef: {  	s8 =	simm.s32 $0x10810;
	[sflag:s17] =	ssyncadd.s32 $0xFFFFF000  }
0xf0: {  	s10 =	simm.s32 $0x0;
	v6 =	vld [tilespmem:s8+$0xFFFFFFF0]  }
0xf1: {  	v7 =	vor.u32 s10, v0  }
0xf2: {  	v8 =	vor.u32 s10, v3;
	_ =	sdelay $0x2  }
0xf3: {  	v9 =	vshll.u32 v6, $0x10  }
0xf4: {  	v6 =	vand.u32 $0xFFFF0000, v6;
	[tilespmem:v7+s3+$0x0] =	vst.idx.msk $0xffff, v9  }
0xf5: {  	[tilespmem:v8+s3+$0x0] =	vst.idx.msk $0xffff, v6  }
0xf6: {  	v7 =	vld [tilespmem:s8+$0x0]  }
0xf7: {  	v8 =	vor.u32 s10, v4;
	_ =	sdelay $0x1  }
0xf8: {  	v6 =	vor.u32 s10, v5;
	_ =	sdelay $0x1  }
0xf9: {  	v63 =	vshll.u32 v7, $0x10  }
0xfa: {  	s9 =	simm.s32 $0x1;
	v7 =	vand.u32 $0xFFFF0000, v7;
	[tilespmem:v8+s3+$0x0] =	vst.idx.msk $0xffff, v63  }
.LBB2_11:
0xfb: {  	p0 =	sne.s32 s9, $0x7F  }
0xfc: {  	[tilespmem:v6+s3+$0x0] =	vst.idx.msk $0xffff, v7;
	s8 =	sadd.s32 $0x20, s8;
	s5 =	smov.u32 s9;
	s9 =	sadd.s32 $0x1, s9  }
0xfd: {  	v6 =	vld [tilespmem:s8+$0xFFFFFFF0];
	s5 =	sshll.u32 s5, $0x7  }
0xfe: {  	v7 =	vor.u32 s5, v0  }
0xff: {  	v8 =	vor.u32 s5, v3;
	_ =	sdelay $0x2  }
0x100: {  	v9 =	vshll.u32 v6, $0x10  }
0x101: {  	v6 =	vand.u32 $0xFFFF0000, v6;
	[tilespmem:v7+s3+$0x0] =	vst.idx.msk $0xffff, v9  }
0x102: {  	[tilespmem:v8+s3+$0x0] =	vst.idx.msk $0xffff, v6  }
0x103: {  	v7 =	vld [tilespmem:s8+$0x0]  }
0x104: {  	v8 =	vor.u32 s5, v4  }
.Ltmp5:
0x105: {  	v6 =	vor.u32 s5, v5;
	(pc) =	sbr.rel @p0 .LBB2_11-.Ltmp5, $3  }
0x106: {  	_ =	sdelay $0x1  }
0x107: {  	v9 =	vshll.u32 v7, $0x10  }
0x108: {  	v7 =	vand.u32 $0xFFFF0000, v7;
	[tilespmem:v8+s3+$0x0] =	vst.idx.msk $0xffff, v9  }
0x109: {  	_ =	sdelay $0x3  }
0x10a: {  	[tilespmem:v6+s3+$0x0] =	vst.idx.msk $0xffff, v7;
	s5 =	simm.s32 $0x0;
	s8 =	rddreg [dreg:$0xa]  }
0x10b: {  	[hbm4b:s8+s5] =	stream.linear.scatter [tilespmem:s5], [sflag:$0x15], $0x4000, $0x38;
	[tilespmem:$0x1E800] =	vst v63  }
0x10c: {  	_ =	swait.ge [sflag:s17], $0x4000  }
0x10d: {  	[sflag:s17] =	ssyncset.done $0x0  }
0x10e: {  	[sflag:s17] =	ssyncadd.s32 $0xFFFFC000  }
0x10f: {  	[tilespmem:s19], [sflag:$0x15] =	stream.linear.gather [spmem:s22], $0x1000, $0x38;
	[tilespmem:$0x1E800] =	vst v63  }
0x110: {  	_ =	swait.ge [sflag:s17], $0x1000  }
0x111: {  	[sflag:s17] =	ssyncset.done $0x0  }
0x112: {  	s8 =	simm.s32 $0x10810;
	[sflag:s17] =	ssyncadd.s32 $0xFFFFF000  }
0x113: {  	s10 =	simm.s32 $0x0;
	v6 =	vld [tilespmem:s8+$0xFFFFFFF0]  }
0x114: {  	v7 =	vor.u32 s10, v0  }
0x115: {  	v8 =	vor.u32 s10, v3;
	_ =	sdelay $0x2  }
0x116: {  	v9 =	vshll.u32 v6, $0x10  }
0x117: {  	v6 =	vand.u32 $0xFFFF0000, v6;
	[tilespmem:v7+s3+$0x0] =	vst.idx.msk $0xffff, v9  }
0x118: {  	[tilespmem:v8+s3+$0x0] =	vst.idx.msk $0xffff, v6  }
0x119: {  	v7 =	vld [tilespmem:s8+$0x0]  }
0x11a: {  	v8 =	vor.u32 s10, v4;
	_ =	sdelay $0x1  }
0x11b: {  	v6 =	vor.u32 s10, v5;
	_ =	sdelay $0x1  }
0x11c: {  	v63 =	vshll.u32 v7, $0x10  }
0x11d: {  	s9 =	simm.s32 $0x1;
	v7 =	vand.u32 $0xFFFF0000, v7;
	[tilespmem:v8+s3+$0x0] =	vst.idx.msk $0xffff, v63  }
.LBB2_13:
0x11e: {  	p0 =	sne.s32 s9, $0x7F  }
0x11f: {  	[tilespmem:v6+s3+$0x0] =	vst.idx.msk $0xffff, v7;
	s8 =	sadd.s32 $0x20, s8;
	s5 =	smov.u32 s9;
	s9 =	sadd.s32 $0x1, s9  }
0x120: {  	v6 =	vld [tilespmem:s8+$0xFFFFFFF0];
	s5 =	sshll.u32 s5, $0x7  }
0x121: {  	v7 =	vor.u32 s5, v0  }
0x122: {  	v8 =	vor.u32 s5, v3;
	_ =	sdelay $0x2  }
0x123: {  	v9 =	vshll.u32 v6, $0x10  }
0x124: {  	v6 =	vand.u32 $0xFFFF0000, v6;
	[tilespmem:v7+s3+$0x0] =	vst.idx.msk $0xffff, v9  }
0x125: {  	[tilespmem:v8+s3+$0x0] =	vst.idx.msk $0xffff, v6  }
0x126: {  	v7 =	vld [tilespmem:s8+$0x0]  }
0x127: {  	v8 =	vor.u32 s5, v4  }
.Ltmp6:
0x128: {  	v6 =	vor.u32 s5, v5;
	(pc) =	sbr.rel @p0 .LBB2_13-.Ltmp6, $3  }
0x129: {  	_ =	sdelay $0x1  }
0x12a: {  	v9 =	vshll.u32 v7, $0x10  }
0x12b: {  	v7 =	vand.u32 $0xFFFF0000, v7;
	[tilespmem:v8+s3+$0x0] =	vst.idx.msk $0xffff, v9  }
0x12c: {  	_ =	sdelay $0x3  }
0x12d: {  	[tilespmem:v6+s3+$0x0] =	vst.idx.msk $0xffff, v7;
	s5 =	simm.s32 $0x0;
	s8 =	rddreg [dreg:$0xb]  }
0x12e: {  	[hbm4b:s8+s5] =	stream.linear.scatter [tilespmem:s5], [sflag:$0x15], $0x4000, $0x38;
	[tilespmem:$0x1E800] =	vst v63  }
0x12f: {  	_ =	swait.ge [sflag:s17], $0x4000  }
0x130: {  	[sflag:s17] =	ssyncset.done $0x0  }
0x131: {  	[sflag:s17] =	ssyncadd.s32 $0xFFFFC000  }
0x132: {  	[tilespmem:s19], [sflag:$0x15] =	stream.linear.gather [spmem:s31], $0x1000, $0x38;
	[tilespmem:$0x1E800] =	vst v63  }
0x133: {  	_ =	swait.ge [sflag:s17], $0x1000  }
0x134: {  	[sflag:s17] =	ssyncset.done $0x0  }
0x135: {  	s8 =	simm.s32 $0x10810;
	[sflag:s17] =	ssyncadd.s32 $0xFFFFF000  }
0x136: {  	s10 =	simm.s32 $0x0;
	v6 =	vld [tilespmem:s8+$0xFFFFFFF0]  }
0x137: {  	v7 =	vor.u32 s10, v0  }
0x138: {  	v8 =	vor.u32 s10, v3;
	_ =	sdelay $0x2  }
0x139: {  	v9 =	vshll.u32 v6, $0x10  }
0x13a: {  	v6 =	vand.u32 $0xFFFF0000, v6;
	[tilespmem:v7+s3+$0x0] =	vst.idx.msk $0xffff, v9  }
0x13b: {  	[tilespmem:v8+s3+$0x0] =	vst.idx.msk $0xffff, v6  }
0x13c: {  	v7 =	vld [tilespmem:s8+$0x0]  }
0x13d: {  	v8 =	vor.u32 s10, v4;
	_ =	sdelay $0x1  }
0x13e: {  	v6 =	vor.u32 s10, v5;
	_ =	sdelay $0x1  }
0x13f: {  	v63 =	vshll.u32 v7, $0x10  }
0x140: {  	s9 =	simm.s32 $0x1;
	v7 =	vand.u32 $0xFFFF0000, v7;
	[tilespmem:v8+s3+$0x0] =	vst.idx.msk $0xffff, v63  }
.LBB2_15:
0x141: {  	p0 =	sne.s32 s9, $0x7F  }
0x142: {  	[tilespmem:v6+s3+$0x0] =	vst.idx.msk $0xffff, v7;
	s8 =	sadd.s32 $0x20, s8;
	s5 =	smov.u32 s9;
	s9 =	sadd.s32 $0x1, s9  }
0x143: {  	v6 =	vld [tilespmem:s8+$0xFFFFFFF0];
	s5 =	sshll.u32 s5, $0x7  }
0x144: {  	v7 =	vor.u32 s5, v0  }
0x145: {  	v8 =	vor.u32 s5, v3;
	_ =	sdelay $0x2  }
0x146: {  	v9 =	vshll.u32 v6, $0x10  }
0x147: {  	v6 =	vand.u32 $0xFFFF0000, v6;
	[tilespmem:v7+s3+$0x0] =	vst.idx.msk $0xffff, v9  }
0x148: {  	[tilespmem:v8+s3+$0x0] =	vst.idx.msk $0xffff, v6  }
0x149: {  	v7 =	vld [tilespmem:s8+$0x0]  }
0x14a: {  	v8 =	vor.u32 s5, v4  }
.Ltmp7:
0x14b: {  	v6 =	vor.u32 s5, v5;
	(pc) =	sbr.rel @p0 .LBB2_15-.Ltmp7, $3  }
0x14c: {  	_ =	sdelay $0x1  }
0x14d: {  	v9 =	vshll.u32 v7, $0x10  }
0x14e: {  	v7 =	vand.u32 $0xFFFF0000, v7;
	[tilespmem:v8+s3+$0x0] =	vst.idx.msk $0xffff, v9  }
0x14f: {  	_ =	sdelay $0x3  }
0x150: {  	[tilespmem:v6+s3+$0x0] =	vst.idx.msk $0xffff, v7;
	s5 =	rddreg [dreg:$0xc]  }
0x151: {  	[hbm4b:s5+s3] =	stream.linear.scatter [tilespmem:s3], [sflag:$0x15], $0x4000, $0x38;
	[tilespmem:$0x1E800] =	vst v63  }
0x152: {  	_ =	swait.ge [sflag:s17], $0x4000  }
0x153: {  	s8 =	rddreg [dreg:$0xe]  }
0x154: {  	s10 =	rddreg [dreg:$0xd];
	s8 =	sadd.s32 $0x1, s8  }
0x155: {  	p0 =	sne.s32 s8, s10  }
.Ltmp8:
0x156: {  	_ = 	snop;
	(pc) =	sbr.rel @p0 .LBB2_1-.Ltmp8, $3  }
0x157: {  	_ =	sdelay $0x1  }
0x158: {  	[sflag:s17] =	ssyncset.done $0x0  }
0x159: {  	[sflag:s17] =	ssyncadd.s32 $0xFFFFC000  }
0x15a: {  	_ =	sfence.sel $0x180000  }
0x15b: {  	[bflag:$0x0] =	sbarrier.arrive $0xFFFF  }
0x15c: {  	_ =	strace $0x90000047  }
0x15d: {  	s0 =	stileid.u32;
	[bflag:$0x2] =	sbarrier.arrive $0xFFFF  }
0x15e: {  	p0 =	sne.s32 s0, $0x0;
	s0 =	rddreg [dreg:$0x2]  }
0x15f: {  	s0 =	sadd.s32 @!p0 $0x100000, s0  }
0x160: {  	[sflag:s0] =	ssyncadd.tile.s32 @!p0 $0x1;
	_ =	shalt  }
.Lfunc_end2:
_tile_overlayer_lowered:
.L_overlay_start_2:
0x161: {  	(tag) =	ssettag $0x2  }
0x162: {  	s0 =	rddreg [dreg:$0x0];
	s2 =	stileid.u32  }
0x163: {  	s1 =	rddreg [dreg:$0x1];
	p0 =	sne.s32 s2, $0x0  }
0x164: {  	s3 =	rddreg [dreg:$0x2];
	[bflag:$0x3] =	sbarrier.arrive $0xFFFF;
	s2 =	simm.s32 @!p0 $0x1C15  }
0x165: {  	[timem:s3], [sflag:s2] =	dma.local @!p0 [hbm:s0], s1  }
0x166: {  	s0 =	simm.s32 @!p0 $0x15  }
0x167: {  	_ =	swait.ge @!p0 [sflag:s0], s1  }
0x168: {  	s1 =	ssub.s32 @!p0 $0x0, s1;
	[sflag:s0] =	ssyncset.done @!p0 $0x0  }
0x169: {  	[sflag:s0] =	ssyncadd.s32 @!p0 s1  }
0x16a: {  	[bflag:$0x3] =	sbarrier.arrive $0xFFFF  }
0x16b: {  	_ =	shalt  }

</sc_bundles>
